<compile_context>
chip_gen: v7x
topology: tpu7x:2x2x1
jax: 0.10.2.dev20260603
libtpu: 0.0.44.dev20260713+nightly
codegen_flags: <defaults>
</compile_context>

<pallas_src>
import functools

import jax
import jax.numpy as jnp
from jax import lax
from jax.experimental import pallas as pl
from jax.experimental.pallas import tpu as pltpu
from jax.experimental.pallas import tpu_sc as plsc

N_ROWS = 4096
N_COLS = 26
D = 128
NC = 2
NS = 16
NW = NC * NS
RB = N_ROWS // NW
NBUF = 6

_mesh = plsc.VectorSubcoreMesh(core_axis_name="c", subcore_axis_name="s")


@functools.partial(
    pl.kernel,
    mesh=_mesh,
    out_type=jax.ShapeDtypeStruct((N_COLS, N_ROWS, D), jnp.float32),
    scratch_types=[
        pltpu.VMEM((N_COLS, RB), jnp.int32),
    ] + [pltpu.VMEM((RB, D), jnp.float32) for _ in range(NBUF)]
      + [pltpu.SemaphoreType.DMA for _ in range(2 * NBUF)],
)
def _gather_kernel(idx_hbm, table_hbm, out_hbm, idx_v, *bufs_sems):
    bufs = bufs_sems[:NBUF]
    g_sems = bufs_sems[NBUF:2 * NBUF]
    s_sems = bufs_sems[2 * NBUF:]
    wid = lax.axis_index("s") * NC + lax.axis_index("c")
    rbase = wid * RB
    pltpu.sync_copy(idx_hbm.at[:, pl.ds(rbase, RB)], idx_v)

    def gather(c, b):
        pltpu.async_copy(table_hbm.at[pl.ds(wid * RB, RB)], bufs[b], g_sems[b])

    def store(c, b):
        pltpu.async_copy(bufs[b], out_hbm.at[c, pl.ds(rbase, RB)], s_sems[b])

    def wait_gather(b):
        pltpu.make_async_copy(table_hbm.at[pl.ds(0, RB)], bufs[b],
                              g_sems[b]).wait()

    def wait_store(b):
        pltpu.make_async_copy(bufs[b], out_hbm.at[0, pl.ds(rbase, RB)],
                              s_sems[b]).wait()

    for b in range(NBUF):
        gather(b, b)

    def outer(g, carry):
        c0 = g * NBUF
        for b in range(NBUF):
            wait_gather(b)
            store(c0 + b, b)
        for b in range(NBUF):
            wait_store(b)
            gather(c0 + NBUF + b, b)
        return carry

    lax.fori_loop(0, N_COLS // NBUF - 1, outer, 0)

    c0 = (N_COLS // NBUF - 1) * NBUF
    for b in range(NBUF):
        wait_gather(b)
        store(c0 + b, b)
    for b in range(N_COLS - c0 - NBUF):
        wait_store(b)
        gather(c0 + NBUF + b, b)
    for b in range(2):
        wait_gather(b)
        store(c0 + NBUF + b, b)
    for b in range(NBUF):
        wait_store(b)


def kernel(x, table):
    out = _gather_kernel(x.T.astype(jnp.int32), table)
    return out.transpose(1, 0, 2)

# --- scband reference (transcript-rebuilt; emitter-appended) ---
"""Pipeline reference for scband-attr-embedding-39281770889938 (READ-ONLY COPY).

The authoritative reference and input builder live on the scoring server;
editing this copy changes nothing except your own understanding.
"""

import jax, jax.numpy as jnp
import numpy as np

N_ATTRS = 100000
EMBED_SIZE = 128

def setup_inputs(seed: int = 0) -> dict:
    key = jax.random.key(seed)
    k_idx, k_tab = jax.random.split(key)
    x = jax.random.randint(k_idx, (4096, 26), 0, N_ATTRS, dtype=jnp.int64 if jax.config.jax_enable_x64 else jnp.int32)
    table = jax.random.normal(k_tab, (N_ATTRS, EMBED_SIZE), dtype=jnp.float32)
    return {"x": x, "table": table}

def reference(x, table):
    # nn.Embedding forward: row gather from the embedding table
    return jnp.take(table, x, axis=0)

if __name__ == "__main__":
    import jax
    _d = setup_inputs()
    print(jax.jit(kernel)(*tuple(_d.values())))

</pallas_src>

<mosaic_0001>
#map = affine_map<(d0, d1) -> (0, 0)>
#map1 = affine_map<(d0, d1) -> (0, 0, 0)>
module attributes {stable_mosaic.version = 14 : i64} {
  func.func @_gather_kernel(%arg0: i32, %arg1: i32, %arg2: memref<26x4096xi32, #tpu.memory_space<hbm>>, %arg3: memref<100000x128xf32, #tpu.memory_space<hbm>>, %arg4: memref<26x4096x128xf32, #tpu.memory_space<hbm>>, %arg5: memref<26x128xi32, #tpu.memory_space<vmem>>, %arg6: memref<128x128xf32, #tpu.memory_space<vmem>>, %arg7: memref<128x128xf32, #tpu.memory_space<vmem>>, %arg8: memref<128x128xf32, #tpu.memory_space<vmem>>, %arg9: memref<128x128xf32, #tpu.memory_space<vmem>>, %arg10: memref<128x128xf32, #tpu.memory_space<vmem>>, %arg11: memref<128x128xf32, #tpu.memory_space<vmem>>, %arg12: memref<!tpu.dma_semaphore, #tpu.memory_space<semaphore_mem>>, %arg13: memref<!tpu.dma_semaphore, #tpu.memory_space<semaphore_mem>>, %arg14: memref<!tpu.dma_semaphore, #tpu.memory_space<semaphore_mem>>, %arg15: memref<!tpu.dma_semaphore, #tpu.memory_space<semaphore_mem>>, %arg16: memref<!tpu.dma_semaphore, #tpu.memory_space<semaphore_mem>>, %arg17: memref<!tpu.dma_semaphore, #tpu.memory_space<semaphore_mem>>, %arg18: memref<!tpu.dma_semaphore, #tpu.memory_space<semaphore_mem>>, %arg19: memref<!tpu.dma_semaphore, #tpu.memory_space<semaphore_mem>>, %arg20: memref<!tpu.dma_semaphore, #tpu.memory_space<semaphore_mem>>, %arg21: memref<!tpu.dma_semaphore, #tpu.memory_space<semaphore_mem>>, %arg22: memref<!tpu.dma_semaphore, #tpu.memory_space<semaphore_mem>>, %arg23: memref<!tpu.dma_semaphore, #tpu.memory_space<semaphore_mem>>) attributes {dimension_semantics = [#tpu.dimension_semantics<core_parallel>, #tpu.dimension_semantics<subcore_parallel>], iteration_bounds = array<i64: 2, 16>, scalar_prefetch = 0 : i64, scratch_operands = 19 : i64, tpu.core_type = #tpu.core_type<sc_vector_subcore>, window_params = [{transform_indices = #map}, {transform_indices = #map}, {transform_indices = #map1}]} {
    %mul3A = arith.constant 2 : i32
    %mul3A_0 = arith.muli %arg1, %mul3A : i32
    %add3A = arith.addi %mul3A_0, %arg0 : i32
    %mul3A_1 = arith.constant 128 : i32
    %mul3A_2 = arith.muli %add3A, %mul3A_1 : i32
    "tpu.region"() ({
      %run_scoped3A = tpu.sem_alloc : memref<!tpu.dma_semaphore, #tpu.memory_space<semaphore_mem>>
      %dma_start3A_214 = arith.constant 0 : i32
      %dma_start3A_215 = tpu.memref_slice %arg2[%dma_start3A_214, %mul3A_2] : memref<26x4096xi32, #tpu.memory_space<hbm>> -> memref<26x128xi32, #tpu.memory_space<hbm>>
      %dma_start3A_216 = arith.constant 0 : i32
      %dma_start3A_217 = tpu.memref_slice %arg2[%dma_start3A_216, %mul3A_2] : memref<26x4096xi32, #tpu.memory_space<hbm>> -> memref<26x128xi32, #tpu.memory_space<hbm>>
      tpu.enqueue_dma source(%dma_start3A_217 : memref<26x128xi32, #tpu.memory_space<hbm>>) target(%arg5 : memref<26x128xi32, #tpu.memory_space<vmem>>) target_semaphore(%run_scoped3A : memref<!tpu.dma_semaphore, #tpu.memory_space<semaphore_mem>>)
      %dma_wait3A_218 = arith.constant 0 : i32
      %dma_wait3A_219 = tpu.memref_slice %arg2[%dma_wait3A_218, %mul3A_2] : memref<26x4096xi32, #tpu.memory_space<hbm>> -> memref<26x128xi32, #tpu.memory_space<hbm>>
      %dma_wait3A_220 = arith.constant 0 : i32
      %dma_wait3A_221 = tpu.memref_slice %arg2[%dma_wait3A_220, %mul3A_2] : memref<26x4096xi32, #tpu.memory_space<hbm>> -> memref<26x128xi32, #tpu.memory_space<hbm>>
      tpu.wait_dma2 semaphore(%run_scoped3A : memref<!tpu.dma_semaphore, #tpu.memory_space<semaphore_mem>>) src(%dma_wait3A_221 : memref<26x128xi32, #tpu.memory_space<hbm>>) dst(%arg5 : memref<26x128xi32, #tpu.memory_space<vmem>>)
      tpu.yield
    }) : () -> ()
    %mul3A_3 = arith.constant 128 : i32
    %mul3A_4 = arith.muli %add3A, %mul3A_3 : i32
    %dma_start3A = arith.constant 0 : i32
    %dma_start3A_5 = tpu.memref_slice %arg3[%mul3A_4, %dma_start3A] : memref<100000x128xf32, #tpu.memory_space<hbm>> -> memref<128x128xf32, #tpu.memory_space<hbm>>
    %dma_start3A_6 = arith.constant 0 : i32
    %dma_start3A_7 = tpu.memref_slice %arg3[%mul3A_4, %dma_start3A_6] : memref<100000x128xf32, #tpu.memory_space<hbm>> -> memref<128x128xf32, #tpu.memory_space<hbm>>
    tpu.enqueue_dma source(%dma_start3A_7 : memref<128x128xf32, #tpu.memory_space<hbm>>) target(%arg6 : memref<128x128xf32, #tpu.memory_space<vmem>>) target_semaphore(%arg12 : memref<!tpu.dma_semaphore, #tpu.memory_space<semaphore_mem>>)
    %mul3A_8 = arith.constant 128 : i32
    %mul3A_9 = arith.muli %add3A, %mul3A_8 : i32
    %dma_start3A_10 = arith.constant 0 : i32
    %dma_start3A_11 = tpu.memref_slice %arg3[%mul3A_9, %dma_start3A_10] : memref<100000x128xf32, #tpu.memory_space<hbm>> -> memref<128x128xf32, #tpu.memory_space<hbm>>
    %dma_start3A_12 = arith.constant 0 : i32
    %dma_start3A_13 = tpu.memref_slice %arg3[%mul3A_9, %dma_start3A_12] : memref<100000x128xf32, #tpu.memory_space<hbm>> -> memref<128x128xf32, #tpu.memory_space<hbm>>
    tpu.enqueue_dma source(%dma_start3A_13 : memref<128x128xf32, #tpu.memory_space<hbm>>) target(%arg7 : memref<128x128xf32, #tpu.memory_space<vmem>>) target_semaphore(%arg13 : memref<!tpu.dma_semaphore, #tpu.memory_space<semaphore_mem>>)
    %mul3A_14 = arith.constant 128 : i32
    %mul3A_15 = arith.muli %add3A, %mul3A_14 : i32
    %dma_start3A_16 = arith.constant 0 : i32
    %dma_start3A_17 = tpu.memref_slice %arg3[%mul3A_15, %dma_start3A_16] : memref<100000x128xf32, #tpu.memory_space<hbm>> -> memref<128x128xf32, #tpu.memory_space<hbm>>
    %dma_start3A_18 = arith.constant 0 : i32
    %dma_start3A_19 = tpu.memref_slice %arg3[%mul3A_15, %dma_start3A_18] : memref<100000x128xf32, #tpu.memory_space<hbm>> -> memref<128x128xf32, #tpu.memory_space<hbm>>
    tpu.enqueue_dma source(%dma_start3A_19 : memref<128x128xf32, #tpu.memory_space<hbm>>) target(%arg8 : memref<128x128xf32, #tpu.memory_space<vmem>>) target_semaphore(%arg14 : memref<!tpu.dma_semaphore, #tpu.memory_space<semaphore_mem>>)
    %mul3A_20 = arith.constant 128 : i32
    %mul3A_21 = arith.muli %add3A, %mul3A_20 : i32
    %dma_start3A_22 = arith.constant 0 : i32
    %dma_start3A_23 = tpu.memref_slice %arg3[%mul3A_21, %dma_start3A_22] : memref<100000x128xf32, #tpu.memory_space<hbm>> -> memref<128x128xf32, #tpu.memory_space<hbm>>
    %dma_start3A_24 = arith.constant 0 : i32
    %dma_start3A_25 = tpu.memref_slice %arg3[%mul3A_21, %dma_start3A_24] : memref<100000x128xf32, #tpu.memory_space<hbm>> -> memref<128x128xf32, #tpu.memory_space<hbm>>
    tpu.enqueue_dma source(%dma_start3A_25 : memref<128x128xf32, #tpu.memory_space<hbm>>) target(%arg9 : memref<128x128xf32, #tpu.memory_space<vmem>>) target_semaphore(%arg15 : memref<!tpu.dma_semaphore, #tpu.memory_space<semaphore_mem>>)
    %mul3A_26 = arith.constant 128 : i32
    %mul3A_27 = arith.muli %add3A, %mul3A_26 : i32
    %dma_start3A_28 = arith.constant 0 : i32
    %dma_start3A_29 = tpu.memref_slice %arg3[%mul3A_27, %dma_start3A_28] : memref<100000x128xf32, #tpu.memory_space<hbm>> -> memref<128x128xf32, #tpu.memory_space<hbm>>
    %dma_start3A_30 = arith.constant 0 : i32
    %dma_start3A_31 = tpu.memref_slice %arg3[%mul3A_27, %dma_start3A_30] : memref<100000x128xf32, #tpu.memory_space<hbm>> -> memref<128x128xf32, #tpu.memory_space<hbm>>
    tpu.enqueue_dma source(%dma_start3A_31 : memref<128x128xf32, #tpu.memory_space<hbm>>) target(%arg10 : memref<128x128xf32, #tpu.memory_space<vmem>>) target_semaphore(%arg16 : memref<!tpu.dma_semaphore, #tpu.memory_space<semaphore_mem>>)
    %mul3A_32 = arith.constant 128 : i32
    %mul3A_33 = arith.muli %add3A, %mul3A_32 : i32
    %dma_start3A_34 = arith.constant 0 : i32
    %dma_start3A_35 = tpu.memref_slice %arg3[%mul3A_33, %dma_start3A_34] : memref<100000x128xf32, #tpu.memory_space<hbm>> -> memref<128x128xf32, #tpu.memory_space<hbm>>
    %dma_start3A_36 = arith.constant 0 : i32
    %dma_start3A_37 = tpu.memref_slice %arg3[%mul3A_33, %dma_start3A_36] : memref<100000x128xf32, #tpu.memory_space<hbm>> -> memref<128x128xf32, #tpu.memory_space<hbm>>
    tpu.enqueue_dma source(%dma_start3A_37 : memref<128x128xf32, #tpu.memory_space<hbm>>) target(%arg11 : memref<128x128xf32, #tpu.memory_space<vmem>>) target_semaphore(%arg17 : memref<!tpu.dma_semaphore, #tpu.memory_space<semaphore_mem>>)
    %scan3A = arith.constant 0 : i32
    %scan3A_38 = arith.constant 0 : i32
    %scan3A_39 = arith.constant 3 : i32
    %scan3A_40 = arith.addi %scan3A_38, %scan3A_39 : i32
    %scan3A_41 = arith.constant 1 : i32
    scf.for %scan3A_214 = %scan3A_38 to %scan3A_40 step %scan3A_41  : i32 {
      %mul3A_215 = arith.constant 6 : i32
      %mul3A_216 = arith.muli %scan3A_214, %mul3A_215 : i32
      %dma_wait3A_217 = arith.constant 0 : i32
      %dma_wait3A_218 = arith.constant 0 : i32
      %dma_wait3A_219 = tpu.memref_slice %arg3[%dma_wait3A_217, %dma_wait3A_218] : memref<100000x128xf32, #tpu.memory_space<hbm>> -> memref<128x128xf32, #tpu.memory_space<hbm>>
      %dma_wait3A_220 = arith.constant 0 : i32
      %dma_wait3A_221 = arith.constant 0 : i32
      %dma_wait3A_222 = tpu.memref_slice %arg3[%dma_wait3A_220, %dma_wait3A_221] : memref<100000x128xf32, #tpu.memory_space<hbm>> -> memref<128x128xf32, #tpu.memory_space<hbm>>
      tpu.wait_dma2 semaphore(%arg12 : memref<!tpu.dma_semaphore, #tpu.memory_space<semaphore_mem>>) src(%dma_wait3A_222 : memref<128x128xf32, #tpu.memory_space<hbm>>) dst(%arg6 : memref<128x128xf32, #tpu.memory_space<vmem>>)
      %add3A_223 = arith.constant 0 : i32
      %add3A_224 = arith.addi %mul3A_216, %add3A_223 : i32
      %dma_start3A_225 = arith.constant 0 : i32
      %dma_start3A_226 = tpu.memref_slice %arg4[%add3A_224, %mul3A_2, %dma_start3A_225] : memref<26x4096x128xf32, #tpu.memory_space<hbm>> -> memref<1x128x128xf32, #tpu.memory_space<hbm>>
      %dma_start3A_227 = tpu.memref_squeeze %dma_start3A_226 : memref<1x128x128xf32, #tpu.memory_space<hbm>> -> memref<128x128xf32, #tpu.memory_space<hbm>>
      %dma_start3A_228 = arith.constant 0 : i32
      %dma_start3A_229 = tpu.memref_slice %arg4[%add3A_224, %mul3A_2, %dma_start3A_228] : memref<26x4096x128xf32, #tpu.memory_space<hbm>> -> memref<1x128x128xf32, #tpu.memory_space<hbm>>
      %dma_start3A_230 = tpu.memref_squeeze %dma_start3A_229 : memref<1x128x128xf32, #tpu.memory_space<hbm>> -> memref<128x128xf32, #tpu.memory_space<hbm>>
      tpu.enqueue_dma source(%arg6 : memref<128x128xf32, #tpu.memory_space<vmem>>) target(%dma_start3A_230 : memref<128x128xf32, #tpu.memory_space<hbm>>) target_semaphore(%arg18 : memref<!tpu.dma_semaphore, #tpu.memory_space<semaphore_mem>>)
      %dma_wait3A_231 = arith.constant 0 : i32
      %dma_wait3A_232 = arith.constant 0 : i32
      %dma_wait3A_233 = tpu.memref_slice %arg3[%dma_wait3A_231, %dma_wait3A_232] : memref<100000x128xf32, #tpu.memory_space<hbm>> -> memref<128x128xf32, #tpu.memory_space<hbm>>
      %dma_wait3A_234 = arith.constant 0 : i32
      %dma_wait3A_235 = arith.constant 0 : i32
      %dma_wait3A_236 = tpu.memref_slice %arg3[%dma_wait3A_234, %dma_wait3A_235] : memref<100000x128xf32, #tpu.memory_space<hbm>> -> memref<128x128xf32, #tpu.memory_space<hbm>>
      tpu.wait_dma2 semaphore(%arg13 : memref<!tpu.dma_semaphore, #tpu.memory_space<semaphore_mem>>) src(%dma_wait3A_236 : memref<128x128xf32, #tpu.memory_space<hbm>>) dst(%arg7 : memref<128x128xf32, #tpu.memory_space<vmem>>)
      %add3A_237 = arith.constant 1 : i32
      %add3A_238 = arith.addi %mul3A_216, %add3A_237 : i32
      %dma_start3A_239 = arith.constant 0 : i32
      %dma_start3A_240 = tpu.memref_slice %arg4[%add3A_238, %mul3A_2, %dma_start3A_239] : memref<26x4096x128xf32, #tpu.memory_space<hbm>> -> memref<1x128x128xf32, #tpu.memory_space<hbm>>
      %dma_start3A_241 = tpu.memref_squeeze %dma_start3A_240 : memref<1x128x128xf32, #tpu.memory_space<hbm>> -> memref<128x128xf32, #tpu.memory_space<hbm>>
      %dma_start3A_242 = arith.constant 0 : i32
      %dma_start3A_243 = tpu.memref_slice %arg4[%add3A_238, %mul3A_2, %dma_start3A_242] : memref<26x4096x128xf32, #tpu.memory_space<hbm>> -> memref<1x128x128xf32, #tpu.memory_space<hbm>>
      %dma_start3A_244 = tpu.memref_squeeze %dma_start3A_243 : memref<1x128x128xf32, #tpu.memory_space<hbm>> -> memref<128x128xf32, #tpu.memory_space<hbm>>
      tpu.enqueue_dma source(%arg7 : memref<128x128xf32, #tpu.memory_space<vmem>>) target(%dma_start3A_244 : memref<128x128xf32, #tpu.memory_space<hbm>>) target_semaphore(%arg19 : memref<!tpu.dma_semaphore, #tpu.memory_space<semaphore_mem>>)
      %dma_wait3A_245 = arith.constant 0 : i32
      %dma_wait3A_246 = arith.constant 0 : i32
      %dma_wait3A_247 = tpu.memref_slice %arg3[%dma_wait3A_245, %dma_wait3A_246] : memref<100000x128xf32, #tpu.memory_space<hbm>> -> memref<128x128xf32, #tpu.memory_space<hbm>>
      %dma_wait3A_248 = arith.constant 0 : i32
      %dma_wait3A_249 = arith.constant 0 : i32
      %dma_wait3A_250 = tpu.memref_slice %arg3[%dma_wait3A_248, %dma_wait3A_249] : memref<100000x128xf32, #tpu.memory_space<hbm>> -> memref<128x128xf32, #tpu.memory_space<hbm>>
      tpu.wait_dma2 semaphore(%arg14 : memref<!tpu.dma_semaphore, #tpu.memory_space<semaphore_mem>>) src(%dma_wait3A_250 : memref<128x128xf32, #tpu.memory_space<hbm>>) dst(%arg8 : memref<128x128xf32, #tpu.memory_space<vmem>>)
      %add3A_251 = arith.constant 2 : i32
      %add3A_252 = arith.addi %mul3A_216, %add3A_251 : i32
      %dma_start3A_253 = arith.constant 0 : i32
      %dma_start3A_254 = tpu.memref_slice %arg4[%add3A_252, %mul3A_2, %dma_start3A_253] : memref<26x4096x128xf32, #tpu.memory_space<hbm>> -> memref<1x128x128xf32, #tpu.memory_space<hbm>>
      %dma_start3A_255 = tpu.memref_squeeze %dma_start3A_254 : memref<1x128x128xf32, #tpu.memory_space<hbm>> -> memref<128x128xf32, #tpu.memory_space<hbm>>
      %dma_start3A_256 = arith.constant 0 : i32
      %dma_start3A_257 = tpu.memref_slice %arg4[%add3A_252, %mul3A_2, %dma_start3A_256] : memref<26x4096x128xf32, #tpu.memory_space<hbm>> -> memref<1x128x128xf32, #tpu.memory_space<hbm>>
      %dma_start3A_258 = tpu.memref_squeeze %dma_start3A_257 : memref<1x128x128xf32, #tpu.memory_space<hbm>> -> memref<128x128xf32, #tpu.memory_space<hbm>>
      tpu.enqueue_dma source(%arg8 : memref<128x128xf32, #tpu.memory_space<vmem>>) target(%dma_start3A_258 : memref<128x128xf32, #tpu.memory_space<hbm>>) target_semaphore(%arg20 : memref<!tpu.dma_semaphore, #tpu.memory_space<semaphore_mem>>)
      %dma_wait3A_259 = arith.constant 0 : i32
      %dma_wait3A_260 = arith.constant 0 : i32
      %dma_wait3A_261 = tpu.memref_slice %arg3[%dma_wait3A_259, %dma_wait3A_260] : memref<100000x128xf32, #tpu.memory_space<hbm>> -> memref<128x128xf32, #tpu.memory_space<hbm>>
      %dma_wait3A_262 = arith.constant 0 : i32
      %dma_wait3A_263 = arith.constant 0 : i32
      %dma_wait3A_264 = tpu.memref_slice %arg3[%dma_wait3A_262, %dma_wait3A_263] : memref<100000x128xf32, #tpu.memory_space<hbm>> -> memref<128x128xf32, #tpu.memory_space<hbm>>
      tpu.wait_dma2 semaphore(%arg15 : memref<!tpu.dma_semaphore, #tpu.memory_space<semaphore_mem>>) src(%dma_wait3A_264 : memref<128x128xf32, #tpu.memory_space<hbm>>) dst(%arg9 : memref<128x128xf32, #tpu.memory_space<vmem>>)
      %add3A_265 = arith.constant 3 : i32
      %add3A_266 = arith.addi %mul3A_216, %add3A_265 : i32
      %dma_start3A_267 = arith.constant 0 : i32
      %dma_start3A_268 = tpu.memref_slice %arg4[%add3A_266, %mul3A_2, %dma_start3A_267] : memref<26x4096x128xf32, #tpu.memory_space<hbm>> -> memref<1x128x128xf32, #tpu.memory_space<hbm>>
      %dma_start3A_269 = tpu.memref_squeeze %dma_start3A_268 : memref<1x128x128xf32, #tpu.memory_space<hbm>> -> memref<128x128xf32, #tpu.memory_space<hbm>>
      %dma_start3A_270 = arith.constant 0 : i32
      %dma_start3A_271 = tpu.memref_slice %arg4[%add3A_266, %mul3A_2, %dma_start3A_270] : memref<26x4096x128xf32, #tpu.memory_space<hbm>> -> memref<1x128x128xf32, #tpu.memory_space<hbm>>
      %dma_start3A_272 = tpu.memref_squeeze %dma_start3A_271 : memref<1x128x128xf32, #tpu.memory_space<hbm>> -> memref<128x128xf32, #tpu.memory_space<hbm>>
      tpu.enqueue_dma source(%arg9 : memref<128x128xf32, #tpu.memory_space<vmem>>) target(%dma_start3A_272 : memref<128x128xf32, #tpu.memory_space<hbm>>) target_semaphore(%arg21 : memref<!tpu.dma_semaphore, #tpu.memory_space<semaphore_mem>>)
      %dma_wait3A_273 = arith.constant 0 : i32
      %dma_wait3A_274 = arith.constant 0 : i32
      %dma_wait3A_275 = tpu.memref_slice %arg3[%dma_wait3A_273, %dma_wait3A_274] : memref<100000x128xf32, #tpu.memory_space<hbm>> -> memref<128x128xf32, #tpu.memory_space<hbm>>
      %dma_wait3A_276 = arith.constant 0 : i32
      %dma_wait3A_277 = arith.constant 0 : i32
      %dma_wait3A_278 = tpu.memref_slice %arg3[%dma_wait3A_276, %dma_wait3A_277] : memref<100000x128xf32, #tpu.memory_space<hbm>> -> memref<128x128xf32, #tpu.memory_space<hbm>>
      tpu.wait_dma2 semaphore(%arg16 : memref<!tpu.dma_semaphore, #tpu.memory_space<semaphore_mem>>) src(%dma_wait3A_278 : memref<128x128xf32, #tpu.memory_space<hbm>>) dst(%arg10 : memref<128x128xf32, #tpu.memory_space<vmem>>)
      %add3A_279 = arith.constant 4 : i32
      %add3A_280 = arith.addi %mul3A_216, %add3A_279 : i32
      %dma_start3A_281 = arith.constant 0 : i32
      %dma_start3A_282 = tpu.memref_slice %arg4[%add3A_280, %mul3A_2, %dma_start3A_281] : memref<26x4096x128xf32, #tpu.memory_space<hbm>> -> memref<1x128x128xf32, #tpu.memory_space<hbm>>
      %dma_start3A_283 = tpu.memref_squeeze %dma_start3A_282 : memref<1x128x128xf32, #tpu.memory_space<hbm>> -> memref<128x128xf32, #tpu.memory_space<hbm>>
      %dma_start3A_284 = arith.constant 0 : i32
      %dma_start3A_285 = tpu.memref_slice %arg4[%add3A_280, %mul3A_2, %dma_start3A_284] : memref<26x4096x128xf32, #tpu.memory_space<hbm>> -> memref<1x128x128xf32, #tpu.memory_space<hbm>>
      %dma_start3A_286 = tpu.memref_squeeze %dma_start3A_285 : memref<1x128x128xf32, #tpu.memory_space<hbm>> -> memref<128x128xf32, #tpu.memory_space<hbm>>
      tpu.enqueue_dma source(%arg10 : memref<128x128xf32, #tpu.memory_space<vmem>>) target(%dma_start3A_286 : memref<128x128xf32, #tpu.memory_space<hbm>>) target_semaphore(%arg22 : memref<!tpu.dma_semaphore, #tpu.memory_space<semaphore_mem>>)
      %dma_wait3A_287 = arith.constant 0 : i32
      %dma_wait3A_288 = arith.constant 0 : i32
      %dma_wait3A_289 = tpu.memref_slice %arg3[%dma_wait3A_287, %dma_wait3A_288] : memref<100000x128xf32, #tpu.memory_space<hbm>> -> memref<128x128xf32, #tpu.memory_space<hbm>>
      %dma_wait3A_290 = arith.constant 0 : i32
      %dma_wait3A_291 = arith.constant 0 : i32
      %dma_wait3A_292 = tpu.memref_slice %arg3[%dma_wait3A_290, %dma_wait3A_291] : memref<100000x128xf32, #tpu.memory_space<hbm>> -> memref<128x128xf32, #tpu.memory_space<hbm>>
      tpu.wait_dma2 semaphore(%arg17 : memref<!tpu.dma_semaphore, #tpu.memory_space<semaphore_mem>>) src(%dma_wait3A_292 : memref<128x128xf32, #tpu.memory_space<hbm>>) dst(%arg11 : memref<128x128xf32, #tpu.memory_space<vmem>>)
      %add3A_293 = arith.constant 5 : i32
      %add3A_294 = arith.addi %mul3A_216, %add3A_293 : i32
      %dma_start3A_295 = arith.constant 0 : i32
      %dma_start3A_296 = tpu.memref_slice %arg4[%add3A_294, %mul3A_2, %dma_start3A_295] : memref<26x4096x128xf32, #tpu.memory_space<hbm>> -> memref<1x128x128xf32, #tpu.memory_space<hbm>>
      %dma_start3A_297 = tpu.memref_squeeze %dma_start3A_296 : memref<1x128x128xf32, #tpu.memory_space<hbm>> -> memref<128x128xf32, #tpu.memory_space<hbm>>
      %dma_start3A_298 = arith.constant 0 : i32
      %dma_start3A_299 = tpu.memref_slice %arg4[%add3A_294, %mul3A_2, %dma_start3A_298] : memref<26x4096x128xf32, #tpu.memory_space<hbm>> -> memref<1x128x128xf32, #tpu.memory_space<hbm>>
      %dma_start3A_300 = tpu.memref_squeeze %dma_start3A_299 : memref<1x128x128xf32, #tpu.memory_space<hbm>> -> memref<128x128xf32, #tpu.memory_space<hbm>>
      tpu.enqueue_dma source(%arg11 : memref<128x128xf32, #tpu.memory_space<vmem>>) target(%dma_start3A_300 : memref<128x128xf32, #tpu.memory_space<hbm>>) target_semaphore(%arg23 : memref<!tpu.dma_semaphore, #tpu.memory_space<semaphore_mem>>)
      %dma_wait3A_301 = arith.constant 0 : i32
      %dma_wait3A_302 = arith.constant 0 : i32
      %dma_wait3A_303 = tpu.memref_slice %arg4[%dma_wait3A_301, %mul3A_2, %dma_wait3A_302] : memref<26x4096x128xf32, #tpu.memory_space<hbm>> -> memref<1x128x128xf32, #tpu.memory_space<hbm>>
      %dma_wait3A_304 = tpu.memref_squeeze %dma_wait3A_303 : memref<1x128x128xf32, #tpu.memory_space<hbm>> -> memref<128x128xf32, #tpu.memory_space<hbm>>
      %dma_wait3A_305 = arith.constant 0 : i32
      %dma_wait3A_306 = tpu.memref_slice %arg4[%dma_wait3A_301, %mul3A_2, %dma_wait3A_305] : memref<26x4096x128xf32, #tpu.memory_space<hbm>> -> memref<1x128x128xf32, #tpu.memory_space<hbm>>
      %dma_wait3A_307 = tpu.memref_squeeze %dma_wait3A_306 : memref<1x128x128xf32, #tpu.memory_space<hbm>> -> memref<128x128xf32, #tpu.memory_space<hbm>>
      tpu.wait_dma2 semaphore(%arg18 : memref<!tpu.dma_semaphore, #tpu.memory_space<semaphore_mem>>) src(%arg6 : memref<128x128xf32, #tpu.memory_space<vmem>>) dst(%dma_wait3A_307 : memref<128x128xf32, #tpu.memory_space<hbm>>)
      %add3A_308 = arith.constant 6 : i32
      %add3A_309 = arith.addi %mul3A_216, %add3A_308 : i32
      %add3A_310 = arith.constant 0 : i32
      %add3A_311 = arith.addi %add3A_309, %add3A_310 : i32
      %mul3A_312 = arith.constant 128 : i32
      %mul3A_313 = arith.muli %add3A, %mul3A_312 : i32
      %dma_start3A_314 = arith.constant 0 : i32
      %dma_start3A_315 = tpu.memref_slice %arg3[%mul3A_313, %dma_start3A_314] : memref<100000x128xf32, #tpu.memory_space<hbm>> -> memref<128x128xf32, #tpu.memory_space<hbm>>
      %dma_start3A_316 = arith.constant 0 : i32
      %dma_start3A_317 = tpu.memref_slice %arg3[%mul3A_313, %dma_start3A_316] : memref<100000x128xf32, #tpu.memory_space<hbm>> -> memref<128x128xf32, #tpu.memory_space<hbm>>
      tpu.enqueue_dma source(%dma_start3A_317 : memref<128x128xf32, #tpu.memory_space<hbm>>) target(%arg6 : memref<128x128xf32, #tpu.memory_space<vmem>>) target_semaphore(%arg12 : memref<!tpu.dma_semaphore, #tpu.memory_space<semaphore_mem>>)
      %dma_wait3A_318 = arith.constant 0 : i32
      %dma_wait3A_319 = arith.constant 0 : i32
      %dma_wait3A_320 = tpu.memref_slice %arg4[%dma_wait3A_318, %mul3A_2, %dma_wait3A_319] : memref<26x4096x128xf32, #tpu.memory_space<hbm>> -> memref<1x128x128xf32, #tpu.memory_space<hbm>>
      %dma_wait3A_321 = tpu.memref_squeeze %dma_wait3A_320 : memref<1x128x128xf32, #tpu.memory_space<hbm>> -> memref<128x128xf32, #tpu.memory_space<hbm>>
      %dma_wait3A_322 = arith.constant 0 : i32
      %dma_wait3A_323 = tpu.memref_slice %arg4[%dma_wait3A_318, %mul3A_2, %dma_wait3A_322] : memref<26x4096x128xf32, #tpu.memory_space<hbm>> -> memref<1x128x128xf32, #tpu.memory_space<hbm>>
      %dma_wait3A_324 = tpu.memref_squeeze %dma_wait3A_323 : memref<1x128x128xf32, #tpu.memory_space<hbm>> -> memref<128x128xf32, #tpu.memory_space<hbm>>
      tpu.wait_dma2 semaphore(%arg19 : memref<!tpu.dma_semaphore, #tpu.memory_space<semaphore_mem>>) src(%arg7 : memref<128x128xf32, #tpu.memory_space<vmem>>) dst(%dma_wait3A_324 : memref<128x128xf32, #tpu.memory_space<hbm>>)
      %add3A_325 = arith.constant 6 : i32
      %add3A_326 = arith.addi %mul3A_216, %add3A_325 : i32
      %add3A_327 = arith.constant 1 : i32
      %add3A_328 = arith.addi %add3A_326, %add3A_327 : i32
      %mul3A_329 = arith.constant 128 : i32
      %mul3A_330 = arith.muli %add3A, %mul3A_329 : i32
      %dma_start3A_331 = arith.constant 0 : i32
      %dma_start3A_332 = tpu.memref_slice %arg3[%mul3A_330, %dma_start3A_331] : memref<100000x128xf32, #tpu.memory_space<hbm>> -> memref<128x128xf32, #tpu.memory_space<hbm>>
      %dma_start3A_333 = arith.constant 0 : i32
      %dma_start3A_334 = tpu.memref_slice %arg3[%mul3A_330, %dma_start3A_333] : memref<100000x128xf32, #tpu.memory_space<hbm>> -> memref<128x128xf32, #tpu.memory_space<hbm>>
      tpu.enqueue_dma source(%dma_start3A_334 : memref<128x128xf32, #tpu.memory_space<hbm>>) target(%arg7 : memref<128x128xf32, #tpu.memory_space<vmem>>) target_semaphore(%arg13 : memref<!tpu.dma_semaphore, #tpu.memory_space<semaphore_mem>>)
      %dma_wait3A_335 = arith.constant 0 : i32
      %dma_wait3A_336 = arith.constant 0 : i32
      %dma_wait3A_337 = tpu.memref_slice %arg4[%dma_wait3A_335, %mul3A_2, %dma_wait3A_336] : memref<26x4096x128xf32, #tpu.memory_space<hbm>> -> memref<1x128x128xf32, #tpu.memory_space<hbm>>
      %dma_wait3A_338 = tpu.memref_squeeze %dma_wait3A_337 : memref<1x128x128xf32, #tpu.memory_space<hbm>> -> memref<128x128xf32, #tpu.memory_space<hbm>>
      %dma_wait3A_339 = arith.constant 0 : i32
      %dma_wait3A_340 = tpu.memref_slice %arg4[%dma_wait3A_335, %mul3A_2, %dma_wait3A_339] : memref<26x4096x128xf32, #tpu.memory_space<hbm>> -> memref<1x128x128xf32, #tpu.memory_space<hbm>>
      %dma_wait3A_341 = tpu.memref_squeeze %dma_wait3A_340 : memref<1x128x128xf32, #tpu.memory_space<hbm>> -> memref<128x128xf32, #tpu.memory_space<hbm>>
      tpu.wait_dma2 semaphore(%arg20 : memref<!tpu.dma_semaphore, #tpu.memory_space<semaphore_mem>>) src(%arg8 : memref<128x128xf32, #tpu.memory_space<vmem>>) dst(%dma_wait3A_341 : memref<128x128xf32, #tpu.memory_space<hbm>>)
      %add3A_342 = arith.constant 6 : i32
      %add3A_343 = arith.addi %mul3A_216, %add3A_342 : i32
      %add3A_344 = arith.constant 2 : i32
      %add3A_345 = arith.addi %add3A_343, %add3A_344 : i32
      %mul3A_346 = arith.constant 128 : i32
      %mul3A_347 = arith.muli %add3A, %mul3A_346 : i32
      %dma_start3A_348 = arith.constant 0 : i32
      %dma_start3A_349 = tpu.memref_slice %arg3[%mul3A_347, %dma_start3A_348] : memref<100000x128xf32, #tpu.memory_space<hbm>> -> memref<128x128xf32, #tpu.memory_space<hbm>>
      %dma_start3A_350 = arith.constant 0 : i32
      %dma_start3A_351 = tpu.memref_slice %arg3[%mul3A_347, %dma_start3A_350] : memref<100000x128xf32, #tpu.memory_space<hbm>> -> memref<128x128xf32, #tpu.memory_space<hbm>>
      tpu.enqueue_dma source(%dma_start3A_351 : memref<128x128xf32, #tpu.memory_space<hbm>>) target(%arg8 : memref<128x128xf32, #tpu.memory_space<vmem>>) target_semaphore(%arg14 : memref<!tpu.dma_semaphore, #tpu.memory_space<semaphore_mem>>)
      %dma_wait3A_352 = arith.constant 0 : i32
      %dma_wait3A_353 = arith.constant 0 : i32
      %dma_wait3A_354 = tpu.memref_slice %arg4[%dma_wait3A_352, %mul3A_2, %dma_wait3A_353] : memref<26x4096x128xf32, #tpu.memory_space<hbm>> -> memref<1x128x128xf32, #tpu.memory_space<hbm>>
      %dma_wait3A_355 = tpu.memref_squeeze %dma_wait3A_354 : memref<1x128x128xf32, #tpu.memory_space<hbm>> -> memref<128x128xf32, #tpu.memory_space<hbm>>
      %dma_wait3A_356 = arith.constant 0 : i32
      %dma_wait3A_357 = tpu.memref_slice %arg4[%dma_wait3A_352, %mul3A_2, %dma_wait3A_356] : memref<26x4096x128xf32, #tpu.memory_space<hbm>> -> memref<1x128x128xf32, #tpu.memory_space<hbm>>
      %dma_wait3A_358 = tpu.memref_squeeze %dma_wait3A_357 : memref<1x128x128xf32, #tpu.memory_space<hbm>> -> memref<128x128xf32, #tpu.memory_space<hbm>>
      tpu.wait_dma2 semaphore(%arg21 : memref<!tpu.dma_semaphore, #tpu.memory_space<semaphore_mem>>) src(%arg9 : memref<128x128xf32, #tpu.memory_space<vmem>>) dst(%dma_wait3A_358 : memref<128x128xf32, #tpu.memory_space<hbm>>)
      %add3A_359 = arith.constant 6 : i32
      %add3A_360 = arith.addi %mul3A_216, %add3A_359 : i32
      %add3A_361 = arith.constant 3 : i32
      %add3A_362 = arith.addi %add3A_360, %add3A_361 : i32
      %mul3A_363 = arith.constant 128 : i32
      %mul3A_364 = arith.muli %add3A, %mul3A_363 : i32
      %dma_start3A_365 = arith.constant 0 : i32
      %dma_start3A_366 = tpu.memref_slice %arg3[%mul3A_364, %dma_start3A_365] : memref<100000x128xf32, #tpu.memory_space<hbm>> -> memref<128x128xf32, #tpu.memory_space<hbm>>
      %dma_start3A_367 = arith.constant 0 : i32
      %dma_start3A_368 = tpu.memref_slice %arg3[%mul3A_364, %dma_start3A_367] : memref<100000x128xf32, #tpu.memory_space<hbm>> -> memref<128x128xf32, #tpu.memory_space<hbm>>
      tpu.enqueue_dma source(%dma_start3A_368 : memref<128x128xf32, #tpu.memory_space<hbm>>) target(%arg9 : memref<128x128xf32, #tpu.memory_space<vmem>>) target_semaphore(%arg15 : memref<!tpu.dma_semaphore, #tpu.memory_space<semaphore_mem>>)
      %dma_wait3A_369 = arith.constant 0 : i32
      %dma_wait3A_370 = arith.constant 0 : i32
      %dma_wait3A_371 = tpu.memref_slice %arg4[%dma_wait3A_369, %mul3A_2, %dma_wait3A_370] : memref<26x4096x128xf32, #tpu.memory_space<hbm>> -> memref<1x128x128xf32, #tpu.memory_space<hbm>>
      %dma_wait3A_372 = tpu.memref_squeeze %dma_wait3A_371 : memref<1x128x128xf32, #tpu.memory_space<hbm>> -> memref<128x128xf32, #tpu.memory_space<hbm>>
      %dma_wait3A_373 = arith.constant 0 : i32
      %dma_wait3A_374 = tpu.memref_slice %arg4[%dma_wait3A_369, %mul3A_2, %dma_wait3A_373] : memref<26x4096x128xf32, #tpu.memory_space<hbm>> -> memref<1x128x128xf32, #tpu.memory_space<hbm>>
      %dma_wait3A_375 = tpu.memref_squeeze %dma_wait3A_374 : memref<1x128x128xf32, #tpu.memory_space<hbm>> -> memref<128x128xf32, #tpu.memory_space<hbm>>
      tpu.wait_dma2 semaphore(%arg22 : memref<!tpu.dma_semaphore, #tpu.memory_space<semaphore_mem>>) src(%arg10 : memref<128x128xf32, #tpu.memory_space<vmem>>) dst(%dma_wait3A_375 : memref<128x128xf32, #tpu.memory_space<hbm>>)
      %add3A_376 = arith.constant 6 : i32
      %add3A_377 = arith.addi %mul3A_216, %add3A_376 : i32
      %add3A_378 = arith.constant 4 : i32
      %add3A_379 = arith.addi %add3A_377, %add3A_378 : i32
      %mul3A_380 = arith.constant 128 : i32
      %mul3A_381 = arith.muli %add3A, %mul3A_380 : i32
      %dma_start3A_382 = arith.constant 0 : i32
      %dma_start3A_383 = tpu.memref_slice %arg3[%mul3A_381, %dma_start3A_382] : memref<100000x128xf32, #tpu.memory_space<hbm>> -> memref<128x128xf32, #tpu.memory_space<hbm>>
      %dma_start3A_384 = arith.constant 0 : i32
      %dma_start3A_385 = tpu.memref_slice %arg3[%mul3A_381, %dma_start3A_384] : memref<100000x128xf32, #tpu.memory_space<hbm>> -> memref<128x128xf32, #tpu.memory_space<hbm>>
      tpu.enqueue_dma source(%dma_start3A_385 : memref<128x128xf32, #tpu.memory_space<hbm>>) target(%arg10 : memref<128x128xf32, #tpu.memory_space<vmem>>) target_semaphore(%arg16 : memref<!tpu.dma_semaphore, #tpu.memory_space<semaphore_mem>>)
      %dma_wait3A_386 = arith.constant 0 : i32
      %dma_wait3A_387 = arith.constant 0 : i32
      %dma_wait3A_388 = tpu.memref_slice %arg4[%dma_wait3A_386, %mul3A_2, %dma_wait3A_387] : memref<26x4096x128xf32, #tpu.memory_space<hbm>> -> memref<1x128x128xf32, #tpu.memory_space<hbm>>
      %dma_wait3A_389 = tpu.memref_squeeze %dma_wait3A_388 : memref<1x128x128xf32, #tpu.memory_space<hbm>> -> memref<128x128xf32, #tpu.memory_space<hbm>>
      %dma_wait3A_390 = arith.constant 0 : i32
      %dma_wait3A_391 = tpu.memref_slice %arg4[%dma_wait3A_386, %mul3A_2, %dma_wait3A_390] : memref<26x4096x128xf32, #tpu.memory_space<hbm>> -> memref<1x128x128xf32, #tpu.memory_space<hbm>>
      %dma_wait3A_392 = tpu.memref_squeeze %dma_wait3A_391 : memref<1x128x128xf32, #tpu.memory_space<hbm>> -> memref<128x128xf32, #tpu.memory_space<hbm>>
      tpu.wait_dma2 semaphore(%arg23 : memref<!tpu.dma_semaphore, #tpu.memory_space<semaphore_mem>>) src(%arg11 : memref<128x128xf32, #tpu.memory_space<vmem>>) dst(%dma_wait3A_392 : memref<128x128xf32, #tpu.memory_space<hbm>>)
      %add3A_393 = arith.constant 6 : i32
      %add3A_394 = arith.addi %mul3A_216, %add3A_393 : i32
      %add3A_395 = arith.constant 5 : i32
      %add3A_396 = arith.addi %add3A_394, %add3A_395 : i32
      %mul3A_397 = arith.constant 128 : i32
      %mul3A_398 = arith.muli %add3A, %mul3A_397 : i32
      %dma_start3A_399 = arith.constant 0 : i32
      %dma_start3A_400 = tpu.memref_slice %arg3[%mul3A_398, %dma_start3A_399] : memref<100000x128xf32, #tpu.memory_space<hbm>> -> memref<128x128xf32, #tpu.memory_space<hbm>>
      %dma_start3A_401 = arith.constant 0 : i32
      %dma_start3A_402 = tpu.memref_slice %arg3[%mul3A_398, %dma_start3A_401] : memref<100000x128xf32, #tpu.memory_space<hbm>> -> memref<128x128xf32, #tpu.memory_space<hbm>>
      tpu.enqueue_dma source(%dma_start3A_402 : memref<128x128xf32, #tpu.memory_space<hbm>>) target(%arg11 : memref<128x128xf32, #tpu.memory_space<vmem>>) target_semaphore(%arg17 : memref<!tpu.dma_semaphore, #tpu.memory_space<semaphore_mem>>)
    }
    %scan3A_42 = arith.constant 3 : i32
    %dma_wait3A = arith.constant 0 : i32
    %dma_wait3A_43 = arith.constant 0 : i32
    %dma_wait3A_44 = tpu.memref_slice %arg3[%dma_wait3A, %dma_wait3A_43] : memref<100000x128xf32, #tpu.memory_space<hbm>> -> memref<128x128xf32, #tpu.memory_space<hbm>>
    %dma_wait3A_45 = arith.constant 0 : i32
    %dma_wait3A_46 = arith.constant 0 : i32
    %dma_wait3A_47 = tpu.memref_slice %arg3[%dma_wait3A_45, %dma_wait3A_46] : memref<100000x128xf32, #tpu.memory_space<hbm>> -> memref<128x128xf32, #tpu.memory_space<hbm>>
    tpu.wait_dma2 semaphore(%arg12 : memref<!tpu.dma_semaphore, #tpu.memory_space<semaphore_mem>>) src(%dma_wait3A_47 : memref<128x128xf32, #tpu.memory_space<hbm>>) dst(%arg6 : memref<128x128xf32, #tpu.memory_space<vmem>>)
    %dma_start3A_48 = arith.constant 18 : i32
    %dma_start3A_49 = arith.constant 0 : i32
    %dma_start3A_50 = tpu.memref_slice %arg4[%dma_start3A_48, %mul3A_2, %dma_start3A_49] : memref<26x4096x128xf32, #tpu.memory_space<hbm>> -> memref<1x128x128xf32, #tpu.memory_space<hbm>>
    %dma_start3A_51 = tpu.memref_squeeze %dma_start3A_50 : memref<1x128x128xf32, #tpu.memory_space<hbm>> -> memref<128x128xf32, #tpu.memory_space<hbm>>
    %dma_start3A_52 = arith.constant 0 : i32
    %dma_start3A_53 = tpu.memref_slice %arg4[%dma_start3A_48, %mul3A_2, %dma_start3A_52] : memref<26x4096x128xf32, #tpu.memory_space<hbm>> -> memref<1x128x128xf32, #tpu.memory_space<hbm>>
    %dma_start3A_54 = tpu.memref_squeeze %dma_start3A_53 : memref<1x128x128xf32, #tpu.memory_space<hbm>> -> memref<128x128xf32, #tpu.memory_space<hbm>>
    tpu.enqueue_dma source(%arg6 : memref<128x128xf32, #tpu.memory_space<vmem>>) target(%dma_start3A_54 : memref<128x128xf32, #tpu.memory_space<hbm>>) target_semaphore(%arg18 : memref<!tpu.dma_semaphore, #tpu.memory_space<semaphore_mem>>)
    %dma_wait3A_55 = arith.constant 0 : i32
    %dma_wait3A_56 = arith.constant 0 : i32
    %dma_wait3A_57 = tpu.memref_slice %arg3[%dma_wait3A_55, %dma_wait3A_56] : memref<100000x128xf32, #tpu.memory_space<hbm>> -> memref<128x128xf32, #tpu.memory_space<hbm>>
    %dma_wait3A_58 = arith.constant 0 : i32
    %dma_wait3A_59 = arith.constant 0 : i32
    %dma_wait3A_60 = tpu.memref_slice %arg3[%dma_wait3A_58, %dma_wait3A_59] : memref<100000x128xf32, #tpu.memory_space<hbm>> -> memref<128x128xf32, #tpu.memory_space<hbm>>
    tpu.wait_dma2 semaphore(%arg13 : memref<!tpu.dma_semaphore, #tpu.memory_space<semaphore_mem>>) src(%dma_wait3A_60 : memref<128x128xf32, #tpu.memory_space<hbm>>) dst(%arg7 : memref<128x128xf32, #tpu.memory_space<vmem>>)
    %dma_start3A_61 = arith.constant 19 : i32
    %dma_start3A_62 = arith.constant 0 : i32
    %dma_start3A_63 = tpu.memref_slice %arg4[%dma_start3A_61, %mul3A_2, %dma_start3A_62] : memref<26x4096x128xf32, #tpu.memory_space<hbm>> -> memref<1x128x128xf32, #tpu.memory_space<hbm>>
    %dma_start3A_64 = tpu.memref_squeeze %dma_start3A_63 : memref<1x128x128xf32, #tpu.memory_space<hbm>> -> memref<128x128xf32, #tpu.memory_space<hbm>>
    %dma_start3A_65 = arith.constant 0 : i32
    %dma_start3A_66 = tpu.memref_slice %arg4[%dma_start3A_61, %mul3A_2, %dma_start3A_65] : memref<26x4096x128xf32, #tpu.memory_space<hbm>> -> memref<1x128x128xf32, #tpu.memory_space<hbm>>
    %dma_start3A_67 = tpu.memref_squeeze %dma_start3A_66 : memref<1x128x128xf32, #tpu.memory_space<hbm>> -> memref<128x128xf32, #tpu.memory_space<hbm>>
    tpu.enqueue_dma source(%arg7 : memref<128x128xf32, #tpu.memory_space<vmem>>) target(%dma_start3A_67 : memref<128x128xf32, #tpu.memory_space<hbm>>) target_semaphore(%arg19 : memref<!tpu.dma_semaphore, #tpu.memory_space<semaphore_mem>>)
    %dma_wait3A_68 = arith.constant 0 : i32
    %dma_wait3A_69 = arith.constant 0 : i32
    %dma_wait3A_70 = tpu.memref_slice %arg3[%dma_wait3A_68, %dma_wait3A_69] : memref<100000x128xf32, #tpu.memory_space<hbm>> -> memref<128x128xf32, #tpu.memory_space<hbm>>
    %dma_wait3A_71 = arith.constant 0 : i32
    %dma_wait3A_72 = arith.constant 0 : i32
    %dma_wait3A_73 = tpu.memref_slice %arg3[%dma_wait3A_71, %dma_wait3A_72] : memref<100000x128xf32, #tpu.memory_space<hbm>> -> memref<128x128xf32, #tpu.memory_space<hbm>>
    tpu.wait_dma2 semaphore(%arg14 : memref<!tpu.dma_semaphore, #tpu.memory_space<semaphore_mem>>) src(%dma_wait3A_73 : memref<128x128xf32, #tpu.memory_space<hbm>>) dst(%arg8 : memref<128x128xf32, #tpu.memory_space<vmem>>)
    %dma_start3A_74 = arith.constant 20 : i32
    %dma_start3A_75 = arith.constant 0 : i32
    %dma_start3A_76 = tpu.memref_slice %arg4[%dma_start3A_74, %mul3A_2, %dma_start3A_75] : memref<26x4096x128xf32, #tpu.memory_space<hbm>> -> memref<1x128x128xf32, #tpu.memory_space<hbm>>
    %dma_start3A_77 = tpu.memref_squeeze %dma_start3A_76 : memref<1x128x128xf32, #tpu.memory_space<hbm>> -> memref<128x128xf32, #tpu.memory_space<hbm>>
    %dma_start3A_78 = arith.constant 0 : i32
    %dma_start3A_79 = tpu.memref_slice %arg4[%dma_start3A_74, %mul3A_2, %dma_start3A_78] : memref<26x4096x128xf32, #tpu.memory_space<hbm>> -> memref<1x128x128xf32, #tpu.memory_space<hbm>>
    %dma_start3A_80 = tpu.memref_squeeze %dma_start3A_79 : memref<1x128x128xf32, #tpu.memory_space<hbm>> -> memref<128x128xf32, #tpu.memory_space<hbm>>
    tpu.enqueue_dma source(%arg8 : memref<128x128xf32, #tpu.memory_space<vmem>>) target(%dma_start3A_80 : memref<128x128xf32, #tpu.memory_space<hbm>>) target_semaphore(%arg20 : memref<!tpu.dma_semaphore, #tpu.memory_space<semaphore_mem>>)
    %dma_wait3A_81 = arith.constant 0 : i32
    %dma_wait3A_82 = arith.constant 0 : i32
    %dma_wait3A_83 = tpu.memref_slice %arg3[%dma_wait3A_81, %dma_wait3A_82] : memref<100000x128xf32, #tpu.memory_space<hbm>> -> memref<128x128xf32, #tpu.memory_space<hbm>>
    %dma_wait3A_84 = arith.constant 0 : i32
    %dma_wait3A_85 = arith.constant 0 : i32
    %dma_wait3A_86 = tpu.memref_slice %arg3[%dma_wait3A_84, %dma_wait3A_85] : memref<100000x128xf32, #tpu.memory_space<hbm>> -> memref<128x128xf32, #tpu.memory_space<hbm>>
    tpu.wait_dma2 semaphore(%arg15 : memref<!tpu.dma_semaphore, #tpu.memory_space<semaphore_mem>>) src(%dma_wait3A_86 : memref<128x128xf32, #tpu.memory_space<hbm>>) dst(%arg9 : memref<128x128xf32, #tpu.memory_space<vmem>>)
    %dma_start3A_87 = arith.constant 21 : i32
    %dma_start3A_88 = arith.constant 0 : i32
    %dma_start3A_89 = tpu.memref_slice %arg4[%dma_start3A_87, %mul3A_2, %dma_start3A_88] : memref<26x4096x128xf32, #tpu.memory_space<hbm>> -> memref<1x128x128xf32, #tpu.memory_space<hbm>>
    %dma_start3A_90 = tpu.memref_squeeze %dma_start3A_89 : memref<1x128x128xf32, #tpu.memory_space<hbm>> -> memref<128x128xf32, #tpu.memory_space<hbm>>
    %dma_start3A_91 = arith.constant 0 : i32
    %dma_start3A_92 = tpu.memref_slice %arg4[%dma_start3A_87, %mul3A_2, %dma_start3A_91] : memref<26x4096x128xf32, #tpu.memory_space<hbm>> -> memref<1x128x128xf32, #tpu.memory_space<hbm>>
    %dma_start3A_93 = tpu.memref_squeeze %dma_start3A_92 : memref<1x128x128xf32, #tpu.memory_space<hbm>> -> memref<128x128xf32, #tpu.memory_space<hbm>>
    tpu.enqueue_dma source(%arg9 : memref<128x128xf32, #tpu.memory_space<vmem>>) target(%dma_start3A_93 : memref<128x128xf32, #tpu.memory_space<hbm>>) target_semaphore(%arg21 : memref<!tpu.dma_semaphore, #tpu.memory_space<semaphore_mem>>)
    %dma_wait3A_94 = arith.constant 0 : i32
    %dma_wait3A_95 = arith.constant 0 : i32
    %dma_wait3A_96 = tpu.memref_slice %arg3[%dma_wait3A_94, %dma_wait3A_95] : memref<100000x128xf32, #tpu.memory_space<hbm>> -> memref<128x128xf32, #tpu.memory_space<hbm>>
    %dma_wait3A_97 = arith.constant 0 : i32
    %dma_wait3A_98 = arith.constant 0 : i32
    %dma_wait3A_99 = tpu.memref_slice %arg3[%dma_wait3A_97, %dma_wait3A_98] : memref<100000x128xf32, #tpu.memory_space<hbm>> -> memref<128x128xf32, #tpu.memory_space<hbm>>
    tpu.wait_dma2 semaphore(%arg16 : memref<!tpu.dma_semaphore, #tpu.memory_space<semaphore_mem>>) src(%dma_wait3A_99 : memref<128x128xf32, #tpu.memory_space<hbm>>) dst(%arg10 : memref<128x128xf32, #tpu.memory_space<vmem>>)
    %dma_start3A_100 = arith.constant 22 : i32
    %dma_start3A_101 = arith.constant 0 : i32
    %dma_start3A_102 = tpu.memref_slice %arg4[%dma_start3A_100, %mul3A_2, %dma_start3A_101] : memref<26x4096x128xf32, #tpu.memory_space<hbm>> -> memref<1x128x128xf32, #tpu.memory_space<hbm>>
    %dma_start3A_103 = tpu.memref_squeeze %dma_start3A_102 : memref<1x128x128xf32, #tpu.memory_space<hbm>> -> memref<128x128xf32, #tpu.memory_space<hbm>>
    %dma_start3A_104 = arith.constant 0 : i32
    %dma_start3A_105 = tpu.memref_slice %arg4[%dma_start3A_100, %mul3A_2, %dma_start3A_104] : memref<26x4096x128xf32, #tpu.memory_space<hbm>> -> memref<1x128x128xf32, #tpu.memory_space<hbm>>
    %dma_start3A_106 = tpu.memref_squeeze %dma_start3A_105 : memref<1x128x128xf32, #tpu.memory_space<hbm>> -> memref<128x128xf32, #tpu.memory_space<hbm>>
    tpu.enqueue_dma source(%arg10 : memref<128x128xf32, #tpu.memory_space<vmem>>) target(%dma_start3A_106 : memref<128x128xf32, #tpu.memory_space<hbm>>) target_semaphore(%arg22 : memref<!tpu.dma_semaphore, #tpu.memory_space<semaphore_mem>>)
    %dma_wait3A_107 = arith.constant 0 : i32
    %dma_wait3A_108 = arith.constant 0 : i32
    %dma_wait3A_109 = tpu.memref_slice %arg3[%dma_wait3A_107, %dma_wait3A_108] : memref<100000x128xf32, #tpu.memory_space<hbm>> -> memref<128x128xf32, #tpu.memory_space<hbm>>
    %dma_wait3A_110 = arith.constant 0 : i32
    %dma_wait3A_111 = arith.constant 0 : i32
    %dma_wait3A_112 = tpu.memref_slice %arg3[%dma_wait3A_110, %dma_wait3A_111] : memref<100000x128xf32, #tpu.memory_space<hbm>> -> memref<128x128xf32, #tpu.memory_space<hbm>>
    tpu.wait_dma2 semaphore(%arg17 : memref<!tpu.dma_semaphore, #tpu.memory_space<semaphore_mem>>) src(%dma_wait3A_112 : memref<128x128xf32, #tpu.memory_space<hbm>>) dst(%arg11 : memref<128x128xf32, #tpu.memory_space<vmem>>)
    %dma_start3A_113 = arith.constant 23 : i32
    %dma_start3A_114 = arith.constant 0 : i32
    %dma_start3A_115 = tpu.memref_slice %arg4[%dma_start3A_113, %mul3A_2, %dma_start3A_114] : memref<26x4096x128xf32, #tpu.memory_space<hbm>> -> memref<1x128x128xf32, #tpu.memory_space<hbm>>
    %dma_start3A_116 = tpu.memref_squeeze %dma_start3A_115 : memref<1x128x128xf32, #tpu.memory_space<hbm>> -> memref<128x128xf32, #tpu.memory_space<hbm>>
    %dma_start3A_117 = arith.constant 0 : i32
    %dma_start3A_118 = tpu.memref_slice %arg4[%dma_start3A_113, %mul3A_2, %dma_start3A_117] : memref<26x4096x128xf32, #tpu.memory_space<hbm>> -> memref<1x128x128xf32, #tpu.memory_space<hbm>>
    %dma_start3A_119 = tpu.memref_squeeze %dma_start3A_118 : memref<1x128x128xf32, #tpu.memory_space<hbm>> -> memref<128x128xf32, #tpu.memory_space<hbm>>
    tpu.enqueue_dma source(%arg11 : memref<128x128xf32, #tpu.memory_space<vmem>>) target(%dma_start3A_119 : memref<128x128xf32, #tpu.memory_space<hbm>>) target_semaphore(%arg23 : memref<!tpu.dma_semaphore, #tpu.memory_space<semaphore_mem>>)
    %dma_wait3A_120 = arith.constant 0 : i32
    %dma_wait3A_121 = arith.constant 0 : i32
    %dma_wait3A_122 = tpu.memref_slice %arg4[%dma_wait3A_120, %mul3A_2, %dma_wait3A_121] : memref<26x4096x128xf32, #tpu.memory_space<hbm>> -> memref<1x128x128xf32, #tpu.memory_space<hbm>>
    %dma_wait3A_123 = tpu.memref_squeeze %dma_wait3A_122 : memref<1x128x128xf32, #tpu.memory_space<hbm>> -> memref<128x128xf32, #tpu.memory_space<hbm>>
    %dma_wait3A_124 = arith.constant 0 : i32
    %dma_wait3A_125 = tpu.memref_slice %arg4[%dma_wait3A_120, %mul3A_2, %dma_wait3A_124] : memref<26x4096x128xf32, #tpu.memory_space<hbm>> -> memref<1x128x128xf32, #tpu.memory_space<hbm>>
    %dma_wait3A_126 = tpu.memref_squeeze %dma_wait3A_125 : memref<1x128x128xf32, #tpu.memory_space<hbm>> -> memref<128x128xf32, #tpu.memory_space<hbm>>
    tpu.wait_dma2 semaphore(%arg18 : memref<!tpu.dma_semaphore, #tpu.memory_space<semaphore_mem>>) src(%arg6 : memref<128x128xf32, #tpu.memory_space<vmem>>) dst(%dma_wait3A_126 : memref<128x128xf32, #tpu.memory_space<hbm>>)
    %mul3A_127 = arith.constant 128 : i32
    %mul3A_128 = arith.muli %add3A, %mul3A_127 : i32
    %dma_start3A_129 = arith.constant 0 : i32
    %dma_start3A_130 = tpu.memref_slice %arg3[%mul3A_128, %dma_start3A_129] : memref<100000x128xf32, #tpu.memory_space<hbm>> -> memref<128x128xf32, #tpu.memory_space<hbm>>
    %dma_start3A_131 = arith.constant 0 : i32
    %dma_start3A_132 = tpu.memref_slice %arg3[%mul3A_128, %dma_start3A_131] : memref<100000x128xf32, #tpu.memory_space<hbm>> -> memref<128x128xf32, #tpu.memory_space<hbm>>
    tpu.enqueue_dma source(%dma_start3A_132 : memref<128x128xf32, #tpu.memory_space<hbm>>) target(%arg6 : memref<128x128xf32, #tpu.memory_space<vmem>>) target_semaphore(%arg12 : memref<!tpu.dma_semaphore, #tpu.memory_space<semaphore_mem>>)
    %dma_wait3A_133 = arith.constant 0 : i32
    %dma_wait3A_134 = arith.constant 0 : i32
    %dma_wait3A_135 = tpu.memref_slice %arg4[%dma_wait3A_133, %mul3A_2, %dma_wait3A_134] : memref<26x4096x128xf32, #tpu.memory_space<hbm>> -> memref<1x128x128xf32, #tpu.memory_space<hbm>>
    %dma_wait3A_136 = tpu.memref_squeeze %dma_wait3A_135 : memref<1x128x128xf32, #tpu.memory_space<hbm>> -> memref<128x128xf32, #tpu.memory_space<hbm>>
    %dma_wait3A_137 = arith.constant 0 : i32
    %dma_wait3A_138 = tpu.memref_slice %arg4[%dma_wait3A_133, %mul3A_2, %dma_wait3A_137] : memref<26x4096x128xf32, #tpu.memory_space<hbm>> -> memref<1x128x128xf32, #tpu.memory_space<hbm>>
    %dma_wait3A_139 = tpu.memref_squeeze %dma_wait3A_138 : memref<1x128x128xf32, #tpu.memory_space<hbm>> -> memref<128x128xf32, #tpu.memory_space<hbm>>
    tpu.wait_dma2 semaphore(%arg19 : memref<!tpu.dma_semaphore, #tpu.memory_space<semaphore_mem>>) src(%arg7 : memref<128x128xf32, #tpu.memory_space<vmem>>) dst(%dma_wait3A_139 : memref<128x128xf32, #tpu.memory_space<hbm>>)
    %mul3A_140 = arith.constant 128 : i32
    %mul3A_141 = arith.muli %add3A, %mul3A_140 : i32
    %dma_start3A_142 = arith.constant 0 : i32
    %dma_start3A_143 = tpu.memref_slice %arg3[%mul3A_141, %dma_start3A_142] : memref<100000x128xf32, #tpu.memory_space<hbm>> -> memref<128x128xf32, #tpu.memory_space<hbm>>
    %dma_start3A_144 = arith.constant 0 : i32
    %dma_start3A_145 = tpu.memref_slice %arg3[%mul3A_141, %dma_start3A_144] : memref<100000x128xf32, #tpu.memory_space<hbm>> -> memref<128x128xf32, #tpu.memory_space<hbm>>
    tpu.enqueue_dma source(%dma_start3A_145 : memref<128x128xf32, #tpu.memory_space<hbm>>) target(%arg7 : memref<128x128xf32, #tpu.memory_space<vmem>>) target_semaphore(%arg13 : memref<!tpu.dma_semaphore, #tpu.memory_space<semaphore_mem>>)
    %dma_wait3A_146 = arith.constant 0 : i32
    %dma_wait3A_147 = arith.constant 0 : i32
    %dma_wait3A_148 = tpu.memref_slice %arg3[%dma_wait3A_146, %dma_wait3A_147] : memref<100000x128xf32, #tpu.memory_space<hbm>> -> memref<128x128xf32, #tpu.memory_space<hbm>>
    %dma_wait3A_149 = arith.constant 0 : i32
    %dma_wait3A_150 = arith.constant 0 : i32
    %dma_wait3A_151 = tpu.memref_slice %arg3[%dma_wait3A_149, %dma_wait3A_150] : memref<100000x128xf32, #tpu.memory_space<hbm>> -> memref<128x128xf32, #tpu.memory_space<hbm>>
    tpu.wait_dma2 semaphore(%arg12 : memref<!tpu.dma_semaphore, #tpu.memory_space<semaphore_mem>>) src(%dma_wait3A_151 : memref<128x128xf32, #tpu.memory_space<hbm>>) dst(%arg6 : memref<128x128xf32, #tpu.memory_space<vmem>>)
    %dma_start3A_152 = arith.constant 24 : i32
    %dma_start3A_153 = arith.constant 0 : i32
    %dma_start3A_154 = tpu.memref_slice %arg4[%dma_start3A_152, %mul3A_2, %dma_start3A_153] : memref<26x4096x128xf32, #tpu.memory_space<hbm>> -> memref<1x128x128xf32, #tpu.memory_space<hbm>>
    %dma_start3A_155 = tpu.memref_squeeze %dma_start3A_154 : memref<1x128x128xf32, #tpu.memory_space<hbm>> -> memref<128x128xf32, #tpu.memory_space<hbm>>
    %dma_start3A_156 = arith.constant 0 : i32
    %dma_start3A_157 = tpu.memref_slice %arg4[%dma_start3A_152, %mul3A_2, %dma_start3A_156] : memref<26x4096x128xf32, #tpu.memory_space<hbm>> -> memref<1x128x128xf32, #tpu.memory_space<hbm>>
    %dma_start3A_158 = tpu.memref_squeeze %dma_start3A_157 : memref<1x128x128xf32, #tpu.memory_space<hbm>> -> memref<128x128xf32, #tpu.memory_space<hbm>>
    tpu.enqueue_dma source(%arg6 : memref<128x128xf32, #tpu.memory_space<vmem>>) target(%dma_start3A_158 : memref<128x128xf32, #tpu.memory_space<hbm>>) target_semaphore(%arg18 : memref<!tpu.dma_semaphore, #tpu.memory_space<semaphore_mem>>)
    %dma_wait3A_159 = arith.constant 0 : i32
    %dma_wait3A_160 = arith.constant 0 : i32
    %dma_wait3A_161 = tpu.memref_slice %arg3[%dma_wait3A_159, %dma_wait3A_160] : memref<100000x128xf32, #tpu.memory_space<hbm>> -> memref<128x128xf32, #tpu.memory_space<hbm>>
    %dma_wait3A_162 = arith.constant 0 : i32
    %dma_wait3A_163 = arith.constant 0 : i32
    %dma_wait3A_164 = tpu.memref_slice %arg3[%dma_wait3A_162, %dma_wait3A_163] : memref<100000x128xf32, #tpu.memory_space<hbm>> -> memref<128x128xf32, #tpu.memory_space<hbm>>
    tpu.wait_dma2 semaphore(%arg13 : memref<!tpu.dma_semaphore, #tpu.memory_space<semaphore_mem>>) src(%dma_wait3A_164 : memref<128x128xf32, #tpu.memory_space<hbm>>) dst(%arg7 : memref<128x128xf32, #tpu.memory_space<vmem>>)
    %dma_start3A_165 = arith.constant 25 : i32
    %dma_start3A_166 = arith.constant 0 : i32
    %dma_start3A_167 = tpu.memref_slice %arg4[%dma_start3A_165, %mul3A_2, %dma_start3A_166] : memref<26x4096x128xf32, #tpu.memory_space<hbm>> -> memref<1x128x128xf32, #tpu.memory_space<hbm>>
    %dma_start3A_168 = tpu.memref_squeeze %dma_start3A_167 : memref<1x128x128xf32, #tpu.memory_space<hbm>> -> memref<128x128xf32, #tpu.memory_space<hbm>>
    %dma_start3A_169 = arith.constant 0 : i32
    %dma_start3A_170 = tpu.memref_slice %arg4[%dma_start3A_165, %mul3A_2, %dma_start3A_169] : memref<26x4096x128xf32, #tpu.memory_space<hbm>> -> memref<1x128x128xf32, #tpu.memory_space<hbm>>
    %dma_start3A_171 = tpu.memref_squeeze %dma_start3A_170 : memref<1x128x128xf32, #tpu.memory_space<hbm>> -> memref<128x128xf32, #tpu.memory_space<hbm>>
    tpu.enqueue_dma source(%arg7 : memref<128x128xf32, #tpu.memory_space<vmem>>) target(%dma_start3A_171 : memref<128x128xf32, #tpu.memory_space<hbm>>) target_semaphore(%arg19 : memref<!tpu.dma_semaphore, #tpu.memory_space<semaphore_mem>>)
    %dma_wait3A_172 = arith.constant 0 : i32
    %dma_wait3A_173 = arith.constant 0 : i32
    %dma_wait3A_174 = tpu.memref_slice %arg4[%dma_wait3A_172, %mul3A_2, %dma_wait3A_173] : memref<26x4096x128xf32, #tpu.memory_space<hbm>> -> memref<1x128x128xf32, #tpu.memory_space<hbm>>
    %dma_wait3A_175 = tpu.memref_squeeze %dma_wait3A_174 : memref<1x128x128xf32, #tpu.memory_space<hbm>> -> memref<128x128xf32, #tpu.memory_space<hbm>>
    %dma_wait3A_176 = arith.constant 0 : i32
    %dma_wait3A_177 = tpu.memref_slice %arg4[%dma_wait3A_172, %mul3A_2, %dma_wait3A_176] : memref<26x4096x128xf32, #tpu.memory_space<hbm>> -> memref<1x128x128xf32, #tpu.memory_space<hbm>>
    %dma_wait3A_178 = tpu.memref_squeeze %dma_wait3A_177 : memref<1x128x128xf32, #tpu.memory_space<hbm>> -> memref<128x128xf32, #tpu.memory_space<hbm>>
    tpu.wait_dma2 semaphore(%arg18 : memref<!tpu.dma_semaphore, #tpu.memory_space<semaphore_mem>>) src(%arg6 : memref<128x128xf32, #tpu.memory_space<vmem>>) dst(%dma_wait3A_178 : memref<128x128xf32, #tpu.memory_space<hbm>>)
    %dma_wait3A_179 = arith.constant 0 : i32
    %dma_wait3A_180 = arith.constant 0 : i32
    %dma_wait3A_181 = tpu.memref_slice %arg4[%dma_wait3A_179, %mul3A_2, %dma_wait3A_180] : memref<26x4096x128xf32, #tpu.memory_space<hbm>> -> memref<1x128x128xf32, #tpu.memory_space<hbm>>
    %dma_wait3A_182 = tpu.memref_squeeze %dma_wait3A_181 : memref<1x128x128xf32, #tpu.memory_space<hbm>> -> memref<128x128xf32, #tpu.memory_space<hbm>>
    %dma_wait3A_183 = arith.constant 0 : i32
    %dma_wait3A_184 = tpu.memref_slice %arg4[%dma_wait3A_179, %mul3A_2, %dma_wait3A_183] : memref<26x4096x128xf32, #tpu.memory_space<hbm>> -> memref<1x128x128xf32, #tpu.memory_space<hbm>>
    %dma_wait3A_185 = tpu.memref_squeeze %dma_wait3A_184 : memref<1x128x128xf32, #tpu.memory_space<hbm>> -> memref<128x128xf32, #tpu.memory_space<hbm>>
    tpu.wait_dma2 semaphore(%arg19 : memref<!tpu.dma_semaphore, #tpu.memory_space<semaphore_mem>>) src(%arg7 : memref<128x128xf32, #tpu.memory_space<vmem>>) dst(%dma_wait3A_185 : memref<128x128xf32, #tpu.memory_space<hbm>>)
    %dma_wait3A_186 = arith.constant 0 : i32
    %dma_wait3A_187 = arith.constant 0 : i32
    %dma_wait3A_188 = tpu.memref_slice %arg4[%dma_wait3A_186, %mul3A_2, %dma_wait3A_187] : memref<26x4096x128xf32, #tpu.memory_space<hbm>> -> memref<1x128x128xf32, #tpu.memory_space<hbm>>
    %dma_wait3A_189 = tpu.memref_squeeze %dma_wait3A_188 : memref<1x128x128xf32, #tpu.memory_space<hbm>> -> memref<128x128xf32, #tpu.memory_space<hbm>>
    %dma_wait3A_190 = arith.constant 0 : i32
    %dma_wait3A_191 = tpu.memref_slice %arg4[%dma_wait3A_186, %mul3A_2, %dma_wait3A_190] : memref<26x4096x128xf32, #tpu.memory_space<hbm>> -> memref<1x128x128xf32, #tpu.memory_space<hbm>>
    %dma_wait3A_192 = tpu.memref_squeeze %dma_wait3A_191 : memref<1x128x128xf32, #tpu.memory_space<hbm>> -> memref<128x128xf32, #tpu.memory_space<hbm>>
    tpu.wait_dma2 semaphore(%arg20 : memref<!tpu.dma_semaphore, #tpu.memory_space<semaphore_mem>>) src(%arg8 : memref<128x128xf32, #tpu.memory_space<vmem>>) dst(%dma_wait3A_192 : memref<128x128xf32, #tpu.memory_space<hbm>>)
    %dma_wait3A_193 = arith.constant 0 : i32
    %dma_wait3A_194 = arith.constant 0 : i32
    %dma_wait3A_195 = tpu.memref_slice %arg4[%dma_wait3A_193, %mul3A_2, %dma_wait3A_194] : memref<26x4096x128xf32, #tpu.memory_space<hbm>> -> memref<1x128x128xf32, #tpu.memory_space<hbm>>
    %dma_wait3A_196 = tpu.memref_squeeze %dma_wait3A_195 : memref<1x128x128xf32, #tpu.memory_space<hbm>> -> memref<128x128xf32, #tpu.memory_space<hbm>>
    %dma_wait3A_197 = arith.constant 0 : i32
    %dma_wait3A_198 = tpu.memref_slice %arg4[%dma_wait3A_193, %mul3A_2, %dma_wait3A_197] : memref<26x4096x128xf32, #tpu.memory_space<hbm>> -> memref<1x128x128xf32, #tpu.memory_space<hbm>>
    %dma_wait3A_199 = tpu.memref_squeeze %dma_wait3A_198 : memref<1x128x128xf32, #tpu.memory_space<hbm>> -> memref<128x128xf32, #tpu.memory_space<hbm>>
    tpu.wait_dma2 semaphore(%arg21 : memref<!tpu.dma_semaphore, #tpu.memory_space<semaphore_mem>>) src(%arg9 : memref<128x128xf32, #tpu.memory_space<vmem>>) dst(%dma_wait3A_199 : memref<128x128xf32, #tpu.memory_space<hbm>>)
    %dma_wait3A_200 = arith.constant 0 : i32
    %dma_wait3A_201 = arith.constant 0 : i32
    %dma_wait3A_202 = tpu.memref_slice %arg4[%dma_wait3A_200, %mul3A_2, %dma_wait3A_201] : memref<26x4096x128xf32, #tpu.memory_space<hbm>> -> memref<1x128x128xf32, #tpu.memory_space<hbm>>
    %dma_wait3A_203 = tpu.memref_squeeze %dma_wait3A_202 : memref<1x128x128xf32, #tpu.memory_space<hbm>> -> memref<128x128xf32, #tpu.memory_space<hbm>>
    %dma_wait3A_204 = arith.constant 0 : i32
    %dma_wait3A_205 = tpu.memref_slice %arg4[%dma_wait3A_200, %mul3A_2, %dma_wait3A_204] : memref<26x4096x128xf32, #tpu.memory_space<hbm>> -> memref<1x128x128xf32, #tpu.memory_space<hbm>>
    %dma_wait3A_206 = tpu.memref_squeeze %dma_wait3A_205 : memref<1x128x128xf32, #tpu.memory_space<hbm>> -> memref<128x128xf32, #tpu.memory_space<hbm>>
    tpu.wait_dma2 semaphore(%arg22 : memref<!tpu.dma_semaphore, #tpu.memory_space<semaphore_mem>>) src(%arg10 : memref<128x128xf32, #tpu.memory_space<vmem>>) dst(%dma_wait3A_206 : memref<128x128xf32, #tpu.memory_space<hbm>>)
    %dma_wait3A_207 = arith.constant 0 : i32
    %dma_wait3A_208 = arith.constant 0 : i32
    %dma_wait3A_209 = tpu.memref_slice %arg4[%dma_wait3A_207, %mul3A_2, %dma_wait3A_208] : memref<26x4096x128xf32, #tpu.memory_space<hbm>> -> memref<1x128x128xf32, #tpu.memory_space<hbm>>
    %dma_wait3A_210 = tpu.memref_squeeze %dma_wait3A_209 : memref<1x128x128xf32, #tpu.memory_space<hbm>> -> memref<128x128xf32, #tpu.memory_space<hbm>>
    %dma_wait3A_211 = arith.constant 0 : i32
    %dma_wait3A_212 = tpu.memref_slice %arg4[%dma_wait3A_207, %mul3A_2, %dma_wait3A_211] : memref<26x4096x128xf32, #tpu.memory_space<hbm>> -> memref<1x128x128xf32, #tpu.memory_space<hbm>>
    %dma_wait3A_213 = tpu.memref_squeeze %dma_wait3A_212 : memref<1x128x128xf32, #tpu.memory_space<hbm>> -> memref<128x128xf32, #tpu.memory_space<hbm>>
    tpu.wait_dma2 semaphore(%arg23 : memref<!tpu.dma_semaphore, #tpu.memory_space<semaphore_mem>>) src(%arg11 : memref<128x128xf32, #tpu.memory_space<vmem>>) dst(%dma_wait3A_213 : memref<128x128xf32, #tpu.memory_space<hbm>>)
    return
  }
}

</mosaic_0001>

<sc_bundles>
// kernel: kernel.3.cloned.1.call-start
scs
__scs_entry_jumppad:
0x0: {  	(pc) =	sbr.rel $0x88, $3  }
0x1: {  	(tag) =	ssettag $0x0;
	lr =	simm.s32 $0x1  }
0x2: {  	[smem:$0x3F9F] =	sst lr;
	_ =	strace $0xD0000000  }
0x3: {  	_ = 	snop  }
0x4: {  	_ = 	snop  }
0x5: {  	_ = 	snop  }
0x6: {  	_ = 	snop  }
0x7: {  	_ = 	snop  }
__scs_overlays_trampoline_lowered:
0x8: {  	[smem:$0x3FAE] =	sst s0  }
0x9: {  	[smem:$0x3FAF] =	sst s1  }
0xa: {  	[smem:$0x3FB0] =	sst s2  }
0xb: {  	[smem:$0x3FB1] =	sst s3  }
0xc: {  	[smem:$0x3FB2] =	sst s4  }
0xd: {  	[smem:$0x3FB3] =	sst s5  }
0xe: {  	[smem:$0x3FB4] =	sst s6  }
0xf: {  	[smem:$0x3FB5] =	sst s7  }
0x10: {  	[smem:$0x3FB6] =	sst s8  }
0x11: {  	[smem:$0x3FB7] =	sst s9;
	s0 =	simm.s32 @!p0 $0x0  }
0x12: {  	s1 =	sld [smem:$0x3F9D];
	s0 =	simm.s32 @p0 $0x1  }
0x13: {  	[smem:$0x3FB8] =	sst s0;
	s0 =	simm.s32 @!p1 $0x0  }
0x14: {  	s2 =	sld [smem:$0x3F9C];
	s0 =	simm.s32 @p1 $0x1  }
0x15: {  	[smem:$0x3FB9] =	sst s0;
	s0 =	simm.s32 @!p2 $0x0  }
0x16: {  	s3 =	sld [smem:$0x3FDB];
	s0 =	simm.s32 @p2 $0x1  }
0x17: {  	s4 =	simm.s32 $0x1BF5;
	[smem:$0x3FBB] =	sst s0  }
0x18: {  	s0 =	sld [smem:$0x3F9E];
	_ =	swait.ge [sflag:s4], $0x0  }
0x19: {  	s7 =	sld [smem:$0x3F9F]  }
0x1a: {  	s8 =	sadd.s32 $0xFFFFE003, lr  }
0x1b: {  	s9 =	sadd.s32 $0xFFFFFEF7, lr;
	s5 =	simm.s32 $0xFFFFFFFF;
	p2 =	slt.u32 s8, $0xFFFFF086  }
0x1c: {  	p1 =	slt.u32 s9, $0xF7A;
	s5 =	simm.s32 @!p2 $0x0  }
0x1d: {  	s5 =	simm.s32 @p1 $0x1;
	p0 =	seq.s32 s7, s2  }
0x1e: {  	s7 =	smul.u32 @!p0 $0xF7A, s2;
	p2 =	seq.s32 @!p0 s5, $0x0  }
0x1f: {  	s9 =	smul.u32 $0xF7A, s1;
	s8 =	simm.s32 @!p0 $0x1BF5;
	p2 =	por !p2, p0  }
0x20: {  	[sflag:s8] =	ssyncset.s32 @!p0 $0xFFFFF086;
	s6 =	sadd.s32 @!p0 s3, s7;
	s7 =	simm.s32 @!p0 $0x108  }
0x21: {  	s3 =	sadd.s32 s3, s9;
	s6 =	sadd.s32 @!p0 $0x88, s6;
	s7 =	simm.s32 @p2 $0x1082  }
0x22: {  	[simem:s7], [sflag:s8] =	dma.local @!p0 [hbm:s6], $0xF7A  }
0x23: {  	s9 =	sor.u32 $0xD0000000, s2;
	s6 =	simm.s32 $0x108;
	_ =	swait.ge @!p0 [sflag:s8], $0x0  }
0x24: {  	s3 =	sadd.s32 $0x88, s3;
	s6 =	simm.s32 @!p1 $0x1082;
	[sflag:s4] =	ssyncset.s32 $0xFFFFF086  }
0x25: {  	[simem:s6], [sflag:s4] =	dma.local [hbm:s3], $0xF7A  }
0x26: {  	[smem:$0x3F9F] =	sst s1;
	(tag) =	ssettag s2;
	_ =	strace s9  }
0x27: {  	s1 =	sld [smem:$0x3FAF]  }
0x28: {  	s2 =	sld [smem:$0x3FB0]  }
0x29: {  	s4 =	sld [smem:$0x3FB2]  }
0x2a: {  	p0 =	seq.s32 s5, $0x0;
	s5 =	sld [smem:$0x3FB3]  }
0x2b: {  	s6 =	sld [smem:$0x3FB4]  }
0x2c: {  	s7 =	sld [smem:$0x3FB5]  }
0x2d: {  	s3 =	simm.s32 $0x108;
	s8 =	sld [smem:$0x3FB6]  }
0x2e: {  	s3 =	simm.s32 @!p0 $0x1082;
	s9 =	sld [smem:$0x3FB7]  }
0x2f: {  	lr =	sadd.s32 s0, s3;
	s0 =	sld [smem:$0x3FAE]  }
0x30: {  	s3 =	sld [smem:$0x3FB1]  }
0x31: {  	[smem:$0x3FBA] =	sst s10  }
0x32: {  	s10 =	sld [smem:$0x3FB8];
	_ =	sdelay $0x3  }
0x33: {  	p0 =	seq.s32 s10, $0x1;
	s10 =	sld [smem:$0x3FBA];
	_ =	sdelay $0x3  }
0x34: {  	[smem:$0x3FBA] =	sst s10  }
0x35: {  	s10 =	sld [smem:$0x3FB9];
	_ =	sdelay $0x3  }
0x36: {  	p1 =	seq.s32 s10, $0x1;
	s10 =	sld [smem:$0x3FBA];
	_ =	sdelay $0x3  }
0x37: {  	[smem:$0x3FBA] =	sst s10  }
0x38: {  	s10 =	sld [smem:$0x3FBB]  }
0x39: {  	_ = 	snop;
	(pc) =	sbr.ind lr, $3  }
0x3a: {  	_ = 	snop  }
0x3b: {  	_ = 	snop  }
0x3c: {  	p2 =	seq.s32 s10, $0x1;
	s10 =	sld [smem:$0x3FBA]  }
0x3d: {  	_ =	shalt  }
0x3e: {  	_ =	shalt  }
0x3f: {  	_ =	shalt  }
0x40: {  	_ =	shalt  }
0x41: {  	_ =	shalt  }
0x42: {  	_ =	shalt  }
0x43: {  	_ =	shalt  }
0x44: {  	_ =	shalt  }
0x45: {  	_ =	shalt  }
0x46: {  	_ =	shalt  }
0x47: {  	_ =	shalt  }
0x48: {  	_ =	shalt  }
0x49: {  	_ =	shalt  }
0x4a: {  	_ =	shalt  }
0x4b: {  	_ =	shalt  }
0x4c: {  	_ =	shalt  }
0x4d: {  	_ =	shalt  }
0x4e: {  	_ =	shalt  }
0x4f: {  	_ =	shalt  }
0x50: {  	_ =	shalt  }
0x51: {  	_ =	shalt  }
0x52: {  	_ =	shalt  }
0x53: {  	_ =	shalt  }
0x54: {  	_ =	shalt  }
0x55: {  	_ =	shalt  }
0x56: {  	_ =	shalt  }
0x57: {  	_ =	shalt  }
0x58: {  	_ =	shalt  }
0x59: {  	_ =	shalt  }
0x5a: {  	_ =	shalt  }
0x5b: {  	_ =	shalt  }
0x5c: {  	_ =	shalt  }
0x5d: {  	_ =	shalt  }
0x5e: {  	_ =	shalt  }
0x5f: {  	_ =	shalt  }
0x60: {  	_ =	shalt  }
0x61: {  	_ =	shalt  }
0x62: {  	_ =	shalt  }
0x63: {  	_ =	shalt  }
0x64: {  	_ =	shalt  }
0x65: {  	_ =	shalt  }
0x66: {  	_ =	shalt  }
0x67: {  	_ =	shalt  }
0x68: {  	_ =	shalt  }
0x69: {  	_ =	shalt  }
0x6a: {  	_ =	shalt  }
0x6b: {  	_ =	shalt  }
0x6c: {  	_ =	shalt  }
0x6d: {  	_ =	shalt  }
0x6e: {  	_ =	shalt  }
0x6f: {  	_ =	shalt  }
0x70: {  	_ =	shalt  }
0x71: {  	_ =	shalt  }
0x72: {  	_ =	shalt  }
0x73: {  	_ =	shalt  }
0x74: {  	_ =	shalt  }
0x75: {  	_ =	shalt  }
0x76: {  	_ =	shalt  }
0x77: {  	_ =	shalt  }
0x78: {  	_ =	shalt  }
0x79: {  	_ =	shalt  }
0x7a: {  	_ =	shalt  }
0x7b: {  	_ =	shalt  }
0x7c: {  	_ =	shalt  }
0x7d: {  	_ =	shalt  }
0x7e: {  	_ =	shalt  }
0x7f: {  	_ =	shalt  }
0x80: {  	_ =	shalt  }
0x81: {  	_ =	shalt  }
0x82: {  	_ =	shalt  }
0x83: {  	_ =	shalt  }
0x84: {  	_ =	shalt  }
0x85: {  	_ =	shalt  }
0x86: {  	_ =	shalt  }
0x87: {  	_ =	shalt  }
.Lfunc_end0:
.L_simem_size_0:
called_computation_lowered:
.L_overlay_start_0:
0x88: {  	s2 =	sld [smem:$0x3FD9]  }
0x89: {  	s3 =	sld [smem:$0x3FFE];
	_ =	sdelay $0x1  }
0x8a: {  	s1 =	srdreg.scid  }
0x8b: {  	s0 =	sand.u32 $0x1, s1  }
0x8c: {  	s18 =	sshll.u32 s0, $0xA;
	s2 =	sadd.s32 s3, s2  }
0x8d: {  	s2 =	sadd.s32 s2, s18  }
0x8e: {  	[smem:$0x3FC6] =	sst s2  }
0x8f: {  	_ = 	snop  }
0x90: {  	s2 =	sld [smem:$0x3FC9]  }
0x91: {  	s19 =	sld [smem:$0x3FC8]  }
0x92: {  	s4 =	sld [smem:$0x3FD0];
	(tm) =	ssettm $0x1  }
0x93: {  	s5 =	sld [smem:$0x3FFB];
	_ =	sdelay $0x3  }
0x94: {  	_ =	strace s5  }
0x95: {  	s5 =	sld [smem:$0x3FFC];
	_ =	sdelay $0x3  }
0x96: {  	_ =	strace s5  }
0x97: {  	s5 =	sld [smem:$0x3FFD];
	_ =	sdelay $0x3  }
0x98: {  	_ =	strace s5  }
0x99: {  	_ =	strace $0x8FFFFFFF  }
0x9a: {  	s20 =	sld [smem:$0x3FDB];
	_ =	sdelay $0x1  }
0x9b: {  	s6 =	simm.s32 $_scs_section_size  }
0x9c: {  	s7 =	simm.s32 $_size__tile_overlayer_lowered;
	s8 =	simm.s32 $_tile_overlayer_lowered  }
0x9d: {  	s23 =	simm.s32 $0x1BFF;
	s22 =	sshll.u32 s8, $0x1;
	s5 =	sadd.s32 s6, s20  }
0x9e: {  	s9 =	simm.s32 $0x0;
	s21 =	sshll.u32 s7, $0x1;
	s7 =	sadd.s32 s22, s5  }
0x9f: {  	[timem:s9], [sflag:s23] =	dma.local [hbm:s7], s21  }
0xa0: {  	_ =	swait.ge [sflag:s23], s21  }
0xa1: {  	s6 =	ssub.s32 $0x0, s21;
	[sflag:s23] =	ssyncset.done $0x0  }
0xa2: {  	[sflag:s23] =	ssyncadd.s32 s6;
	_ =	sdelay $0x1  }
0xa3: {  	s24 =	simm.s32 $0x1B8B  }
0xa4: {  	_ =	swait.ge [sflag:s24], $0x1  }
0xa5: {  	[sflag:s24] =	ssyncset.done $0x0  }
0xa6: {  	s25 =	simm.s32 $0x1B8E;
	[sflag:s24] =	ssyncadd.s32 $0xFFFFFFFF  }
0xa7: {  	s26 =	simm.s32 $execute0_lowered;
	[smem:$0x3FD2] =	sst s25  }
0xa8: {  	s6 =	sshll.u32 s26, $0x1;
	_ =	strace $0x80000046;
	[dreg:$0x1] =	wrdreg $0xFFFFFFFF  }
0xa9: {  	s28 =	simm.s32 $_size_execute0_lowered;
	s5 =	sadd.s32 s5, s6;
	[dreg:$0x0] =	wrdreg $0x0  }
0xaa: {  	s6 =	sshll.u32 s28, $0x1;
	[dreg:$0x2] =	wrdreg s5  }
0xab: {  	[dreg:$0x3] =	wrdreg s6  }
0xac: {  	[dreg:$0x4] =	wrdreg $0xC0  }
0xad: {  	_ =	task [dreg:s9], $0x5FFFF  }
0xae: {  	[dreg:$0x1] =	wrdreg $0xFFFFFFFF  }
0xaf: {  	[dreg:$0x0] =	wrdreg $0x60  }
0xb0: {  	[dreg:$0x2] =	wrdreg s2  }
0xb1: {  	[dreg:$0x3] =	wrdreg s19  }
0xb2: {  	[dreg:$0x4] =	wrdreg s4  }
0xb3: {  	[dreg:$0x5] =	wrdreg $0x9  }
0xb4: {  	_ =	task.clear_ibuf [dreg:s9], $0x6FFFF;
	_ =	strace $0x90000046  }
0xb5: {  	s29 =	simm.s32 $0x9;
	_ =	strace $0x80000048  }
0xb6: {  	_ =	swait.ge [sflag:s29], $0x1  }
0xb7: {  	[sflag:s29] =	ssyncadd.s32 $0xFFFFFFFF  }
0xb8: {  	_ =	strace $0x90000048  }
0xb9: {  	_ =	sfence  }
0xba: {  	s30 =	sld [smem:$0x0];
	_ =	sdelay $0x2  }
0xbb: {  	s31 =	sshll.u32 s1, $0xD;
	s1 =	sshrl.u32 s1, $0x2  }
0xbc: {  	s3 =	sand.u32 $0x4000, s31;
	s1 =	sadd.s32 s1, s30  }
0xbd: {  	s0 =	sor.u32 s3, s0;
	s1 =	sshll.u32 s1, $0x11  }
0xbe: {  	s0 =	sor.u32 s1, s0  }
0xbf: {  	s0 =	sadd.s32 $0x8F2B, s0  }
0xc0: {  	[sflag:s0] =	ssyncadd.remote.s32 $0x1  }
0xc1: {  	_ =	sfence.sel $0xFFFF  }
0xc2: {  	[dreg:$0x0] =	wrdreg $0xFFFFFFFF;
	(pc) =	sbr.abs _section_cstart, $3  }
0xc3: {  	[dreg:$0x1] =	wrdreg $0xFFFFFFFF  }
0xc4: {  	_ =	task.clear_ibuf [dreg:s9], $0x2FFFF;
	_ =	strace $0x9FFFFFFF  }
0xc5: {  	(tm) =	ssettm $0x7FFFFFFF  }
tec
execute0_lowered:
.L_overlay_start_1:
0x0: {  	(tag) =	ssettag $0x1  }
0x1: {  	s0 =	rddreg [dreg:$0x0]  }
0x2: {  	s1 =	rddreg [dreg:$0x1]  }
0x3: {  	s3 =	rddreg [dreg:$0x2];
	s4 =	srdreg.scid  }
0x4: {  	s2 =	simm.s32 $0x0;
	s8 =	stileid.u32;
	s28 =	simm.s32 $0x11000  }
0x5: {  	s29 =	simm.s32 $0x15000;
	s30 =	simm.s32 $0x1;
	s31 =	simm.s32 $0x2  }
0x6: {  	s4 =	sand.u32 $0x1, s4;
	[smem:$0x7FF] =	sst s2;
	s5 =	sshll.u32 s8, $0x8  }
0x7: {  	s11 =	sshll.u32 s8, $0xF;
	s8 =	simm.s32 $0xC;
	s6 =	sshll.u32 s4, $0x7  }
0x8: {  	_ =	strace $0x80000047;
	s7 =	ssub.s32 $0x2, s4;
	s5 =	sor.u32 s6, s5  }
0x9: {  	s4 =	sshll.u32 s4, $0xE;
	s25 =	sshrl.u32 s7, $0x1;
	s9 =	sadd.s32 s0, s5  }
0xa: {  	s26 =	sshll.u32 s5, $0x4;
	s6 =	ssub.s32 s7, s25;
	s7 =	simm.s32 $0xA  }
0xb: {  	[dreg:$0x5] =	wrdreg s9;
	s10 =	sadd.s32 $0x3000, s9;
	s5 =	sadd.s32 s1, s26  }
0xc: {  	s0 =	sadd.s32 s26, s3;
	s1 =	sor.u32 s4, s11;
	s9 =	simm.s32 $0x0  }
0xd: {  	[dreg:$0x6] =	wrdreg s10;
	s12 =	sadd.s32 $0x120000, s0;
	s13 =	sadd.s32 $0x130000, s0  }
0xe: {  	s14 =	sadd.s32 $0x140000, s0;
	s15 =	sadd.s32 $0x150000, s0;
	[dreg:$0x7] =	wrdreg s12  }
0xf: {  	s16 =	sor.u32 $0x280000, s1;
	s17 =	sadd.s32 $0x160000, s0;
	[dreg:$0x8] =	wrdreg s13  }
0x10: {  	s18 =	sadd.s32 $0x170000, s0;
	s19 =	sadd.s32 $0x180000, s0;
	[dreg:$0x9] =	wrdreg s14  }
0x11: {  	s21 =	sor.u32 $0x200000, s1;
	s22 =	sor.u32 $0x180000, s1;
	[dreg:$0xa] =	wrdreg s15  }
0x12: {  	s23 =	sor.u32 $0x100000, s1;
	s26 =	sshrl.u32 s1, $0x3;
	[dreg:$0xb] =	wrdreg s17  }
0x13: {  	s1 =	simm.s32 $0x4;
	[dreg:$0xc] =	wrdreg s18;
	s4 =	sshrl.u32 s16, $0x3  }
0x14: {  	[dreg:$0xd] =	wrdreg s19;
	s13 =	sadd.s32 $0x190000, s0;
	s14 =	smax.u32 s6, $0x1  }
0x15: {  	s0 =	sshrl.u32 s21, $0x3;
	s24 =	sshrl.u32 s22, $0x3;
	s25 =	sshrl.u32 s23, $0x3  }
0x16: {  	s18 =	sadd.s32 s26, s3;
	s22 =	simm.s32 $0xD;
	s23 =	simm.s32 $0x1000  }
0x17: {  	s26 =	simm.s32 $0xD000;
	s19 =	simm.s32 $0x5;
	s21 =	simm.s32 $0x7  }
0x18: {  	s6 =	simm.s32 $0x9;
	s20 =	sadd.s32 s4, s3;
	s15 =	sadd.s32 s0, s3  }
0x19: {  	s16 =	sadd.s32 s24, s3;
	s17 =	sadd.s32 s25, s3;
	s24 =	simm.s32 $0x5000  }
0x1a: {  	s25 =	simm.s32 $0x9000;
	s0 =	simm.s32 $0x3;
	s4 =	simm.s32 $0x8  }
0x1b: {  	s3 =	simm.s32 $0xB;
	[dreg:$0x4] =	wrdreg s20;
	s20 =	simm.s32 $0x6  }
.LBB2_1:
0x1c: {  	s10 =	rddreg [dreg:$0x5];
	s11 =	simm.s32 $0x400;
	s12 =	simm.s32 $0x8000  }
0x1d: {  	[tilespmem:s2], [sflag:$0xD] =	stream.strided.gather [hbm4b:s10+s11], $0xC00, s12, s11, $0x38;
	[tilespmem:$0x19000] =	vst v63  }
0x1e: {  	s11 =	rddreg [dreg:$0x6];
	s12 =	simm.s32 $0xC00  }
0x1f: {  	[tilespmem:s12], [sflag:$0xD] =	stream.linear.gather [hbm4b:s11+s2], $0x100, $0x38;
	[tilespmem:$0x19000] =	vst v63  }
0x20: {  	_ =	swait.ge [sflag:s22], $0xD00  }
0x21: {  	[sflag:s22] =	ssyncset.done $0x0  }
0x22: {  	[sflag:s22] =	ssyncadd.s32 $0xFFFFF300  }
0x23: {  	[tilespmem:s23], [sflag:$0x1] =	stream.linear.gather [hbm4b:s5+s2], $0x4000, $0x38;
	[tilespmem:$0x19000] =	vst v63  }
0x24: {  	_ = 	snop  }
0x25: {  	[tilespmem:s24], [sflag:$0x2] =	stream.linear.gather [hbm4b:s5+s2], $0x4000, $0x38;
	[tilespmem:$0x19000] =	vst v63  }
0x26: {  	_ = 	snop  }
0x27: {  	[tilespmem:s25], [sflag:$0x3] =	stream.linear.gather [hbm4b:s5+s2], $0x4000, $0x38;
	[tilespmem:$0x19000] =	vst v63  }
0x28: {  	_ = 	snop  }
0x29: {  	[tilespmem:s26], [sflag:$0x4] =	stream.linear.gather [hbm4b:s5+s2], $0x4000, $0x38;
	[tilespmem:$0x19000] =	vst v63  }
0x2a: {  	_ = 	snop  }
0x2b: {  	[tilespmem:s28], [sflag:$0x5] =	stream.linear.gather [hbm4b:s5+s2], $0x4000, $0x38;
	[tilespmem:$0x19000] =	vst v63  }
0x2c: {  	_ = 	snop  }
0x2d: {  	[tilespmem:s29], [sflag:$0x6] =	stream.linear.gather [hbm4b:s5+s2], $0x4000, $0x38;
	[tilespmem:$0x19000] =	vst v63  }
0x2e: {  	_ =	swait.ge [sflag:s30], $0x4000  }
0x2f: {  	[sflag:s30] =	ssyncset.done $0x0  }
0x30: {  	s12 =	sadd.s32 $0x0, s18;
	[sflag:s30] =	ssyncadd.s32 $0xFFFFC000  }
0x31: {  	[hbm4b:s12+s2] =	stream.linear.scatter [tilespmem:s23], [sflag:$0x7], $0x4000, $0x38;
	[tilespmem:$0x19000] =	vst v63  }
0x32: {  	_ =	swait.ge [sflag:s31], $0x4000  }
0x33: {  	[sflag:s31] =	ssyncset.done $0x0  }
0x34: {  	s10 =	sadd.s32 $0x10000, s12;
	[sflag:s31] =	ssyncadd.s32 $0xFFFFC000  }
0x35: {  	[hbm4b:s10+s2] =	stream.linear.scatter [tilespmem:s24], [sflag:$0x8], $0x4000, $0x38;
	[tilespmem:$0x19000] =	vst v63  }
0x36: {  	_ =	swait.ge [sflag:s0], $0x4000  }
0x37: {  	[sflag:s0] =	ssyncset.done $0x0  }
0x38: {  	s11 =	sadd.s32 $0x0, s17;
	[sflag:s0] =	ssyncadd.s32 $0xFFFFC000  }
0x39: {  	[hbm4b:s11+s2] =	stream.linear.scatter [tilespmem:s25], [sflag:$0x9], $0x4000, $0x38;
	[tilespmem:$0x19000] =	vst v63  }
0x3a: {  	_ =	swait.ge [sflag:s1], $0x4000  }
0x3b: {  	[sflag:s1] =	ssyncset.done $0x0  }
0x3c: {  	s12 =	sadd.s32 $0x0, s16;
	[sflag:s1] =	ssyncadd.s32 $0xFFFFC000  }
0x3d: {  	[hbm4b:s12+s2] =	stream.linear.scatter [tilespmem:s26], [sflag:$0xA], $0x4000, $0x38;
	[tilespmem:$0x19000] =	vst v63  }
0x3e: {  	_ =	swait.ge [sflag:s19], $0x4000  }
0x3f: {  	[sflag:s19] =	ssyncset.done $0x0  }
0x40: {  	s11 =	sadd.s32 $0x0, s15;
	[sflag:s19] =	ssyncadd.s32 $0xFFFFC000  }
0x41: {  	[hbm4b:s11+s2] =	stream.linear.scatter [tilespmem:s28], [sflag:$0xB], $0x4000, $0x38;
	[tilespmem:$0x19000] =	vst v63  }
0x42: {  	_ =	swait.ge [sflag:s20], $0x4000  }
0x43: {  	s12 =	rddreg [dreg:$0x4];
	[sflag:s20] =	ssyncset.done $0x0  }
0x44: {  	[sflag:s20] =	ssyncadd.s32 $0xFFFFC000;
	s10 =	sadd.s32 $0x0, s12  }
0x45: {  	[hbm4b:s10+s2] =	stream.linear.scatter [tilespmem:s29], [sflag:$0xC], $0x4000, $0x38;
	[tilespmem:$0x19000] =	vst v63  }
0x46: {  	_ =	swait.ge [sflag:s21], $0x4000  }
0x47: {  	[sflag:s21] =	ssyncset.done $0x0  }
0x48: {  	[sflag:s21] =	ssyncadd.s32 $0xFFFFC000  }
0x49: {  	[tilespmem:s23], [sflag:$0x1] =	stream.linear.gather [hbm4b:s5+s2], $0x4000, $0x38;
	[tilespmem:$0x19000] =	vst v63  }
0x4a: {  	_ =	swait.ge [sflag:s4], $0x4000  }
0x4b: {  	[sflag:s4] =	ssyncset.done $0x0  }
0x4c: {  	[sflag:s4] =	ssyncadd.s32 $0xFFFFC000  }
0x4d: {  	[tilespmem:s24], [sflag:$0x2] =	stream.linear.gather [hbm4b:s5+s2], $0x4000, $0x38;
	[tilespmem:$0x19000] =	vst v63  }
0x4e: {  	_ =	swait.ge [sflag:s6], $0x4000  }
0x4f: {  	[sflag:s6] =	ssyncset.done $0x0  }
0x50: {  	[sflag:s6] =	ssyncadd.s32 $0xFFFFC000  }
0x51: {  	[tilespmem:s25], [sflag:$0x3] =	stream.linear.gather [hbm4b:s5+s2], $0x4000, $0x38;
	[tilespmem:$0x19000] =	vst v63  }
0x52: {  	_ =	swait.ge [sflag:s7], $0x4000  }
0x53: {  	[sflag:s7] =	ssyncset.done $0x0  }
0x54: {  	[sflag:s7] =	ssyncadd.s32 $0xFFFFC000  }
0x55: {  	[tilespmem:s26], [sflag:$0x4] =	stream.linear.gather [hbm4b:s5+s2], $0x4000, $0x38;
	[tilespmem:$0x19000] =	vst v63  }
0x56: {  	_ =	swait.ge [sflag:s3], $0x4000  }
0x57: {  	[sflag:s3] =	ssyncset.done $0x0  }
0x58: {  	[sflag:s3] =	ssyncadd.s32 $0xFFFFC000  }
0x59: {  	[tilespmem:s28], [sflag:$0x5] =	stream.linear.gather [hbm4b:s5+s2], $0x4000, $0x38;
	[tilespmem:$0x19000] =	vst v63  }
0x5a: {  	_ =	swait.ge [sflag:s8], $0x4000  }
0x5b: {  	[sflag:s8] =	ssyncset.done $0x0  }
0x5c: {  	s10 =	simm.s32 $0x60000;
	[sflag:s8] =	ssyncadd.s32 $0xFFFFC000  }
.LBB2_2:
0x5d: {  	[tilespmem:s29], [sflag:$0x6] =	stream.linear.gather [hbm4b:s5+s2], $0x4000, $0x38;
	[tilespmem:$0x19000] =	vst v63  }
0x5e: {  	_ =	swait.ge [sflag:s30], $0x4000  }
0x5f: {  	s11 =	smov.u32 s10;
	[sflag:s30] =	ssyncset.done $0x0  }
0x60: {  	s12 =	sadd.s32 s11, s18;
	[sflag:s30] =	ssyncadd.s32 $0xFFFFC000  }
0x61: {  	[hbm4b:s12+s2] =	stream.linear.scatter [tilespmem:s23], [sflag:$0x7], $0x4000, $0x38;
	[tilespmem:$0x19000] =	vst v63  }
0x62: {  	_ =	swait.ge [sflag:s31], $0x4000  }
0x63: {  	[sflag:s31] =	ssyncset.done $0x0  }
0x64: {  	s12 =	sadd.s32 $0x10000, s12;
	[sflag:s31] =	ssyncadd.s32 $0xFFFFC000  }
0x65: {  	[hbm4b:s12+s2] =	stream.linear.scatter [tilespmem:s24], [sflag:$0x8], $0x4000, $0x38;
	[tilespmem:$0x19000] =	vst v63  }
0x66: {  	_ =	swait.ge [sflag:s0], $0x4000  }
0x67: {  	[sflag:s0] =	ssyncset.done $0x0  }
0x68: {  	s12 =	sadd.s32 s11, s17;
	[sflag:s0] =	ssyncadd.s32 $0xFFFFC000  }
0x69: {  	[hbm4b:s12+s2] =	stream.linear.scatter [tilespmem:s25], [sflag:$0x9], $0x4000, $0x38;
	[tilespmem:$0x19000] =	vst v63  }
0x6a: {  	_ =	swait.ge [sflag:s1], $0x4000  }
0x6b: {  	[sflag:s1] =	ssyncset.done $0x0  }
0x6c: {  	s12 =	sadd.s32 s11, s16;
	[sflag:s1] =	ssyncadd.s32 $0xFFFFC000  }
0x6d: {  	[hbm4b:s12+s2] =	stream.linear.scatter [tilespmem:s26], [sflag:$0xA], $0x4000, $0x38;
	[tilespmem:$0x19000] =	vst v63  }
0x6e: {  	_ =	swait.ge [sflag:s19], $0x4000  }
0x6f: {  	[sflag:s19] =	ssyncset.done $0x0  }
0x70: {  	s12 =	sadd.s32 s11, s15;
	[sflag:s19] =	ssyncadd.s32 $0xFFFFC000  }
0x71: {  	[hbm4b:s12+s2] =	stream.linear.scatter [tilespmem:s28], [sflag:$0xB], $0x4000, $0x38;
	[tilespmem:$0x19000] =	vst v63  }
0x72: {  	_ =	swait.ge [sflag:s20], $0x4000  }
0x73: {  	s12 =	rddreg [dreg:$0x4];
	[sflag:s20] =	ssyncset.done $0x0  }
0x74: {  	[sflag:s20] =	ssyncadd.s32 $0xFFFFC000;
	s11 =	sadd.s32 s11, s12  }
0x75: {  	[hbm4b:s11+s2] =	stream.linear.scatter [tilespmem:s29], [sflag:$0xC], $0x4000, $0x38;
	[tilespmem:$0x19000] =	vst v63  }
0x76: {  	_ =	swait.ge [sflag:s21], $0x4000  }
0x77: {  	[sflag:s21] =	ssyncset.done $0x0  }
0x78: {  	[sflag:s21] =	ssyncadd.s32 $0xFFFFC000  }
0x79: {  	[tilespmem:s23], [sflag:$0x1] =	stream.linear.gather [hbm4b:s5+s2], $0x4000, $0x38;
	[tilespmem:$0x19000] =	vst v63  }
0x7a: {  	_ =	swait.ge [sflag:s4], $0x4000  }
0x7b: {  	[sflag:s4] =	ssyncset.done $0x0  }
0x7c: {  	[sflag:s4] =	ssyncadd.s32 $0xFFFFC000  }
0x7d: {  	[tilespmem:s24], [sflag:$0x2] =	stream.linear.gather [hbm4b:s5+s2], $0x4000, $0x38;
	[tilespmem:$0x19000] =	vst v63  }
0x7e: {  	_ =	swait.ge [sflag:s6], $0x4000  }
0x7f: {  	[sflag:s6] =	ssyncset.done $0x0  }
0x80: {  	[sflag:s6] =	ssyncadd.s32 $0xFFFFC000  }
0x81: {  	[tilespmem:s25], [sflag:$0x3] =	stream.linear.gather [hbm4b:s5+s2], $0x4000, $0x38;
	[tilespmem:$0x19000] =	vst v63  }
0x82: {  	_ =	swait.ge [sflag:s7], $0x4000  }
0x83: {  	[sflag:s7] =	ssyncset.done $0x0  }
0x84: {  	[sflag:s7] =	ssyncadd.s32 $0xFFFFC000  }
0x85: {  	[tilespmem:s26], [sflag:$0x4] =	stream.linear.gather [hbm4b:s5+s2], $0x4000, $0x38;
	[tilespmem:$0x19000] =	vst v63  }
0x86: {  	_ =	swait.ge [sflag:s3], $0x4000  }
0x87: {  	p0 =	sne.s32 s10, $0xC0000;
	[sflag:s3] =	ssyncset.done $0x0  }
.Ltmp0:
0x88: {  	[sflag:s3] =	ssyncadd.s32 $0xFFFFC000;
	(pc) =	sbr.rel @p0 .LBB2_2-.Ltmp0, $4  }
0x89: {  	[tilespmem:s28], [sflag:$0x5] =	stream.linear.gather [hbm4b:s5+s2], $0x4000, $0x38;
	[tilespmem:$0x19000] =	vst v63  }
0x8a: {  	_ =	swait.ge [sflag:s8], $0x4000  }
0x8b: {  	[sflag:s8] =	ssyncset.done $0x0  }
0x8c: {  	s10 =	sadd.s32 $0x60000, s10;
	[sflag:s8] =	ssyncadd.s32 $0xFFFFC000  }
0x8d: {  	[tilespmem:s29], [sflag:$0x6] =	stream.linear.gather [hbm4b:s5+s2], $0x4000, $0x38;
	[tilespmem:$0x19000] =	vst v63  }
0x8e: {  	_ =	swait.ge [sflag:s30], $0x4000  }
0x8f: {  	[sflag:s30] =	ssyncset.done $0x0  }
0x90: {  	s10 =	rddreg [dreg:$0x7];
	[sflag:s30] =	ssyncadd.s32 $0xFFFFC000  }
0x91: {  	[hbm4b:s10+s2] =	stream.linear.scatter [tilespmem:s23], [sflag:$0x7], $0x4000, $0x38;
	[tilespmem:$0x19000] =	vst v63  }
0x92: {  	_ =	swait.ge [sflag:s31], $0x4000  }
0x93: {  	[sflag:s31] =	ssyncset.done $0x0  }
0x94: {  	s11 =	rddreg [dreg:$0x8];
	[sflag:s31] =	ssyncadd.s32 $0xFFFFC000  }
0x95: {  	[hbm4b:s11+s2] =	stream.linear.scatter [tilespmem:s24], [sflag:$0x8], $0x4000, $0x38;
	[tilespmem:$0x19000] =	vst v63  }
0x96: {  	_ =	swait.ge [sflag:s0], $0x4000  }
0x97: {  	[sflag:s0] =	ssyncset.done $0x0  }
0x98: {  	s12 =	rddreg [dreg:$0x9];
	[sflag:s0] =	ssyncadd.s32 $0xFFFFC000  }
0x99: {  	[hbm4b:s12+s2] =	stream.linear.scatter [tilespmem:s25], [sflag:$0x9], $0x4000, $0x38;
	[tilespmem:$0x19000] =	vst v63  }
0x9a: {  	_ =	swait.ge [sflag:s1], $0x4000  }
0x9b: {  	[sflag:s1] =	ssyncset.done $0x0  }
0x9c: {  	s11 =	rddreg [dreg:$0xa];
	[sflag:s1] =	ssyncadd.s32 $0xFFFFC000  }
0x9d: {  	[hbm4b:s11+s2] =	stream.linear.scatter [tilespmem:s26], [sflag:$0xA], $0x4000, $0x38;
	[tilespmem:$0x19000] =	vst v63  }
0x9e: {  	_ =	swait.ge [sflag:s19], $0x4000  }
0x9f: {  	[sflag:s19] =	ssyncset.done $0x0  }
0xa0: {  	s12 =	rddreg [dreg:$0xb];
	[sflag:s19] =	ssyncadd.s32 $0xFFFFC000  }
0xa1: {  	[hbm4b:s12+s2] =	stream.linear.scatter [tilespmem:s28], [sflag:$0xB], $0x4000, $0x38;
	[tilespmem:$0x19000] =	vst v63  }
0xa2: {  	_ =	swait.ge [sflag:s20], $0x4000  }
0xa3: {  	[sflag:s20] =	ssyncset.done $0x0  }
0xa4: {  	s11 =	rddreg [dreg:$0xc];
	[sflag:s20] =	ssyncadd.s32 $0xFFFFC000  }
0xa5: {  	[hbm4b:s11+s2] =	stream.linear.scatter [tilespmem:s29], [sflag:$0xC], $0x4000, $0x38;
	[tilespmem:$0x19000] =	vst v63  }
0xa6: {  	_ =	swait.ge [sflag:s21], $0x4000  }
0xa7: {  	[sflag:s21] =	ssyncset.done $0x0  }
0xa8: {  	[sflag:s21] =	ssyncadd.s32 $0xFFFFC000  }
0xa9: {  	[tilespmem:s23], [sflag:$0x1] =	stream.linear.gather [hbm4b:s5+s2], $0x4000, $0x38;
	[tilespmem:$0x19000] =	vst v63  }
0xaa: {  	_ =	swait.ge [sflag:s4], $0x4000  }
0xab: {  	[sflag:s4] =	ssyncset.done $0x0  }
0xac: {  	[sflag:s4] =	ssyncadd.s32 $0xFFFFC000  }
0xad: {  	[tilespmem:s24], [sflag:$0x2] =	stream.linear.gather [hbm4b:s5+s2], $0x4000, $0x38;
	[tilespmem:$0x19000] =	vst v63  }
0xae: {  	_ =	swait.ge [sflag:s30], $0x4000  }
0xaf: {  	[sflag:s30] =	ssyncset.done $0x0  }
0xb0: {  	s12 =	rddreg [dreg:$0xd];
	[sflag:s30] =	ssyncadd.s32 $0xFFFFC000  }
0xb1: {  	[hbm4b:s12+s2] =	stream.linear.scatter [tilespmem:s23], [sflag:$0x7], $0x4000, $0x38;
	[tilespmem:$0x19000] =	vst v63  }
0xb2: {  	_ =	swait.ge [sflag:s31], $0x4000  }
0xb3: {  	[sflag:s31] =	ssyncset.done $0x0  }
0xb4: {  	[sflag:s31] =	ssyncadd.s32 $0xFFFFC000  }
0xb5: {  	[hbm4b:s13+s2] =	stream.linear.scatter [tilespmem:s24], [sflag:$0x8], $0x4000, $0x38;
	[tilespmem:$0x19000] =	vst v63  }
0xb6: {  	_ =	swait.ge [sflag:s21], $0x4000  }
0xb7: {  	[sflag:s21] =	ssyncset.done $0x0  }
0xb8: {  	[sflag:s21] =	ssyncadd.s32 $0xFFFFC000  }
0xb9: {  	_ =	swait.ge [sflag:s4], $0x4000  }
0xba: {  	[sflag:s4] =	ssyncset.done $0x0  }
0xbb: {  	[sflag:s4] =	ssyncadd.s32 $0xFFFFC000  }
0xbc: {  	_ =	swait.ge [sflag:s6], $0x4000  }
0xbd: {  	[sflag:s6] =	ssyncset.done $0x0  }
0xbe: {  	[sflag:s6] =	ssyncadd.s32 $0xFFFFC000  }
0xbf: {  	_ =	swait.ge [sflag:s7], $0x4000  }
0xc0: {  	[sflag:s7] =	ssyncset.done $0x0  }
0xc1: {  	s9 =	sadd.s32 $0x1, s9;
	[sflag:s7] =	ssyncadd.s32 $0xFFFFC000  }
0xc2: {  	p0 =	sne.s32 s9, s14;
	_ =	swait.ge [sflag:s3], $0x4000  }
.Ltmp1:
0xc3: {  	[sflag:s3] =	ssyncset.done $0x0;
	(pc) =	sbr.rel @p0 .LBB2_1-.Ltmp1, $4  }
0xc4: {  	[sflag:s3] =	ssyncadd.s32 $0xFFFFC000  }
0xc5: {  	_ =	swait.ge [sflag:s8], $0x4000  }
0xc6: {  	[sflag:s8] =	ssyncset.done $0x0  }
0xc7: {  	[sflag:s8] =	ssyncadd.s32 $0xFFFFC000  }
0xc8: {  	_ =	sfence.sel $0x180000  }
0xc9: {  	[bflag:$0x0] =	sbarrier.arrive $0xFFFF  }
0xca: {  	_ =	strace $0x90000047  }
0xcb: {  	s0 =	stileid.u32;
	[bflag:$0x2] =	sbarrier.arrive $0xFFFF  }
0xcc: {  	p0 =	sne.s32 s0, $0x0;
	s0 =	rddreg [dreg:$0x3]  }
0xcd: {  	s0 =	sadd.s32 @!p0 $0x100000, s0  }
0xce: {  	[sflag:s0] =	ssyncadd.tile.s32 @!p0 $0x1;
	_ =	shalt  }
.Lfunc_end2:
_tile_overlayer_lowered:
.L_overlay_start_2:
0xcf: {  	(tag) =	ssettag $0x2  }
0xd0: {  	s0 =	rddreg [dreg:$0x0];
	s2 =	stileid.u32  }
0xd1: {  	s1 =	rddreg [dreg:$0x1];
	p0 =	sne.s32 s2, $0x0  }
0xd2: {  	s3 =	rddreg [dreg:$0x2];
	[bflag:$0x3] =	sbarrier.arrive $0xFFFF;
	s2 =	simm.s32 @!p0 $0x1C0D  }
0xd3: {  	[timem:s3], [sflag:s2] =	dma.local @!p0 [hbm:s0], s1  }
0xd4: {  	s0 =	simm.s32 @!p0 $0xD  }
0xd5: {  	_ =	swait.ge @!p0 [sflag:s0], s1  }
0xd6: {  	s1 =	ssub.s32 @!p0 $0x0, s1;
	[sflag:s0] =	ssyncset.done @!p0 $0x0  }
0xd7: {  	[sflag:s0] =	ssyncadd.s32 @!p0 s1  }
0xd8: {  	[bflag:$0x3] =	sbarrier.arrive $0xFFFF  }
0xd9: {  	_ =	shalt  }

</sc_bundles>
